<compile_context>
chip_gen: v7x
topology: tpu7x:2x2x1
jax: 0.10.2.dev20260603
libtpu: 0.0.44.dev20260713+nightly
codegen_flags: <defaults>
</compile_context>

<pallas_src>
import functools

import jax
import jax.numpy as jnp
import numpy as np
from jax import lax
from jax.experimental import pallas as pl
from jax.experimental.pallas import tpu as pltpu
from jax.experimental.pallas import tpu_sc as plsc

_T = 2048
_F = _T // 2 + 1
_FPAD = 1152
_K = 4
_PMAX = 64
_PMIN = 32
_NP = _PMAX - _PMIN + 1
_FOLDPAD = 2176


def _build_wdft():
    t = np.arange(_T, dtype=np.float64)
    f = np.arange(_F, dtype=np.float64)
    ang = (2.0 * np.pi / _T) * np.outer(t, f)
    wc = np.zeros((_T, _FPAD), dtype=np.float32)
    ws = np.zeros((_T, _FPAD), dtype=np.float32)
    wc[:, :_F] = np.cos(ang).astype(np.float32)
    ws[:, :_F] = -np.sin(ang).astype(np.float32)
    wc[:, 0] = 0.0
    ws[:, 0] = 0.0
    return wc, ws


def _build_wfold() -> np.ndarray:
    w = np.zeros((_T, _FOLDPAD), dtype=np.float32)
    for j in range(_NP):
        p = _PMIN + j
        cycles = _T // p
        start = _T - cycles * p
        tt = np.arange(start, _T)
        w[tt, j * _PMAX + ((tt - start) % p)] = 1.0
    return w


def _build_lut() -> np.ndarray:
    lut = np.zeros((256,), dtype=np.float32)
    for kk in range(128):
        p = int(np.clip(_T // max(kk, 1), _PMIN, _PMAX))
        lut[kk] = (p - _PMIN) * _PMAX
        lut[128 + kk] = 1.0 / (_T // p)
    return lut


_WCOS, _WSIN = _build_wdft()
_WFOLD = _build_wfold().astype(jnp.bfloat16)
_LUT = _build_lut()

_DN = (((1,), (0,)), ((), ()))


def _dft_body(x_ref, wc_ref, ws_ref, m_ref):
    c = jax.lax.dot_general(x_ref[...], wc_ref[...], _DN,
                            preferred_element_type=jnp.float32,
                            precision=jax.lax.Precision.HIGHEST)
    s = jax.lax.dot_general(x_ref[...], ws_ref[...], _DN,
                            preferred_element_type=jnp.float32,
                            precision=jax.lax.Precision.HIGHEST)
    m_ref[...] = c * c + s * s


def _fold_body(x_ref, w_ref, y_ref):
    seqs = x_ref[...]
    xh = seqs.astype(jnp.bfloat16)
    xl = (seqs - xh.astype(jnp.float32)).astype(jnp.bfloat16)
    y_ref[...] = (
        jax.lax.dot_general(xh, w_ref[...], _DN,
                            preferred_element_type=jnp.float32)
        + jax.lax.dot_general(xl, w_ref[...], _DN,
                              preferred_element_type=jnp.float32)
    )


_BN = 1024
_LANES = 16
_NWORK = 32
_ROWS_PER_W = _BN // _NWORK
_NCHUNK = _FPAD // _LANES


def _sc_select(ymag_hbm, yfold_hbm, lut_hbm, out_hbm,
               mag_a, o_a, lut_v):
    wid = lax.axis_index("s") * 2 + lax.axis_index("c")
    base = wid * _ROWS_PER_W
    iota = lax.broadcasted_iota(jnp.int32, (_LANES,), 0)
    neg1 = jnp.full((_LANES,), -1.0, jnp.float32)
    big = jnp.full((_LANES,), 1 << 30, jnp.int32)

    pltpu.sync_copy(lut_hbm, lut_v)

    def row_body(r, carry):
        row = base + r
        pltpu.sync_copy(
            ymag_hbm.at[pl.ds(pl.multiple_of(row * _FPAD, 8), _FPAD)],
            mag_a)

        half = _NCHUNK // 2

        def insert4(m, gi, quad):
            v1, v2, v3, v4, i1, i2, i3, i4 = quad
            b1 = m > v1
            nv1 = jnp.where(b1, m, v1)
            ni1 = jnp.where(b1, gi, i1)
            m2 = jnp.where(b1, v1, m)
            g2 = jnp.where(b1, i1, gi)
            b2 = m2 > v2
            nv2 = jnp.where(b2, m2, v2)
            ni2 = jnp.where(b2, g2, i2)
            m3 = jnp.where(b2, v2, m2)
            g3 = jnp.where(b2, i2, g2)
            b3 = m3 > v3
            nv3 = jnp.where(b3, m3, v3)
            ni3 = jnp.where(b3, g3, i3)
            m4 = jnp.where(b3, v3, m3)
            g4 = jnp.where(b3, i3, g3)
            b4 = m4 > v4
            nv4 = jnp.where(b4, m4, v4)
            ni4 = jnp.where(b4, g4, i4)
            return nv1, nv2, nv3, nv4, ni1, ni2, ni3, ni4

        def chunk_body(i, carry2):
            qa, qb = carry2[:8], carry2[8:]
            ma = mag_a[pl.ds(i * _LANES, _LANES)]
            mb = mag_a[pl.ds((i + half) * _LANES, _LANES)]
            qa = insert4(ma, iota + i * _LANES, qa)
            qb = insert4(mb, iota + (i + half) * _LANES, qb)
            return qa + qb

        init = (neg1, neg1, neg1, neg1, big, big, big, big) * 2
        fin = lax.fori_loop(0, half, chunk_body, init, unroll=4)
        vs = [fin[0], fin[1], fin[2], fin[3], fin[8], fin[9], fin[10],
              fin[11]]
        is_ = [fin[4], fin[5], fin[6], fin[7], fin[12], fin[13], fin[14],
               fin[15]]

        for _k in range(_K):
            vm = vs[0]
            for q in range(1, 8):
                vm = jnp.maximum(vm, vs[q])
            maxv = jnp.max(vm)
            maxv_b = jnp.full((_LANES,), maxv, jnp.float32)
            cand = jnp.where(vs[0] == maxv_b, is_[0], big)
            for q in range(1, 8):
                cand = jnp.minimum(cand,
                                   jnp.where(vs[q] == maxv_b, is_[q], big))
            gidx = jnp.min(cand)
            gidx_b = jnp.full((_LANES,), gidx, jnp.int32)
            for q in range(8):
                vs[q] = jnp.where(is_[q] == gidx_b, neg1, vs[q])

            kclamp = jnp.minimum(jnp.maximum(gidx, 1), 127)
            kvec = (jnp.full((_LANES,), kclamp, jnp.int32)
                    + jnp.where(iota == 1, 128, 0))
            vals = plsc.load_gather(lut_v, [kvec])
            off = vals[0].astype(jnp.int32)
            invc = jnp.full((_LANES,), vals[1], jnp.float32)
            pltpu.sync_copy(
                yfold_hbm.at[pl.ds(pl.multiple_of(
                    row * _FOLDPAD + off, 8), _PMAX)],
                o_a.at[pl.ds(_k * _PMAX, _PMAX)])
            for jj in range(_PMAX // _LANES):
                sl = pl.ds(_k * _PMAX + jj * _LANES, _LANES)
                o_a[sl] = o_a[sl] * invc

        pltpu.sync_copy(
            o_a, out_hbm.at[pl.ds(pl.multiple_of(
                row * (_K * _PMAX), 8), _K * _PMAX)])
        return carry

    lax.fori_loop(0, _ROWS_PER_W, row_body, 0)


@jax.jit
def kernel(x):
    B, T, N = x.shape
    BN = B * N
    seqs = jnp.transpose(x, (0, 2, 1)).reshape(BN, T)
    wcos = jnp.asarray(_WCOS)
    wsin = jnp.asarray(_WSIN)
    wfold = jnp.asarray(_WFOLD)

    rb = 256
    ymag = pl.pallas_call(
        _dft_body,
        grid=(BN // rb,),
        in_specs=[
            pl.BlockSpec((rb, _T), lambda i: (i, 0)),
            pl.BlockSpec((_T, _FPAD), lambda i: (0, 0)),
            pl.BlockSpec((_T, _FPAD), lambda i: (0, 0)),
        ],
        out_specs=pl.BlockSpec((rb, _FPAD), lambda i: (i, 0)),
        out_shape=jax.ShapeDtypeStruct((BN, _FPAD), jnp.float32),
    )(seqs, wcos, wsin)

    yfold = pl.pallas_call(
        _fold_body,
        grid=(BN // rb,),
        in_specs=[
            pl.BlockSpec((rb, _T), lambda i: (i, 0)),
            pl.BlockSpec((_T, _FOLDPAD), lambda i: (0, 0)),
        ],
        out_specs=pl.BlockSpec((rb, _FOLDPAD), lambda i: (i, 0)),
        out_shape=jax.ShapeDtypeStruct((BN, _FOLDPAD), jnp.float32),
    )(seqs, wfold)

    sc_call = functools.partial(
        pl.kernel,
        mesh=plsc.VectorSubcoreMesh(core_axis_name="c", subcore_axis_name="s"),
        compiler_params=pltpu.CompilerParams(needs_layout_passes=False),
        out_type=jax.ShapeDtypeStruct((BN * _K * _PMAX,), jnp.float32),
        scratch_types=[
            pltpu.VMEM((_FPAD,), jnp.float32),
            pltpu.VMEM((_K * _PMAX,), jnp.float32),
            pltpu.VMEM((256,), jnp.float32),
        ],
    )(_sc_select)
    out = sc_call(ymag.reshape(BN * _FPAD), yfold.reshape(BN * _FOLDPAD),
                  jnp.asarray(_LUT))

    return out.reshape(B, N, _K, _PMAX).transpose(0, 2, 3, 1)

# --- scband reference (transcript-rebuilt; emitter-appended) ---
"""Pipeline reference for scband-periodicity-transform-74938589380843 (READ-ONLY COPY).

The authoritative reference and input builder live on the scoring server;
editing this copy changes nothing except your own understanding.
"""

import jax, jax.numpy as jnp
import numpy as np

K_PERIODS = 4
PMAX = 64
MIN_PERIOD = 32


def setup_inputs(seed: int = 0) -> dict:
    key = jax.random.key(seed)
    x = jax.random.normal(key, (16, 2048, 64), dtype=jnp.float32)
    return {"x": x}


def reference(x):
    B, T, N = x.shape
    k_periods, pmax, min_thresh = K_PERIODS, PMAX, MIN_PERIOD
    BN = B * N
    seqs = jnp.transpose(x, (0, 2, 1)).reshape(BN, T)
    # top-k nonzero frequencies
    spec = jnp.fft.rfft(seqs, axis=-1)
    mag2 = spec.real ** 2 + spec.imag ** 2
    mag2 = mag2.at[..., 0].set(0.0)
    Fdim = mag2.shape[-1]
    k = min(k_periods, Fdim - 1) if Fdim > 1 else 0
    if k <= 0:
        return jnp.zeros((B, 0, 1, N), dtype=x.dtype)
    _, topk = jax.lax.top_k(mag2, k)
    kidx = jnp.maximum(topk, 1)
    K = kidx.shape[1]
    P = T // jnp.maximum(kidx, 1)
    P = jnp.clip(P, min_thresh, pmax)
    cycles = jnp.maximum(T // P, 1)
    take = cycles * P
    Cmax = max(T // min_thresh, 1)
    idx_c = jnp.arange(Cmax)
    idx_p = jnp.arange(pmax)
    base = jnp.maximum(T - take, 0)[..., None, None]
    P_exp = P[..., None, None]
    indices = base + idx_c.reshape(1, 1, -1, 1) * P_exp + idx_p.reshape(1, 1, 1, -1)
    indices = jnp.clip(indices, 0, T - 1)
    row = jnp.arange(BN).reshape(BN, 1, 1, 1)
    gathered = seqs[row, indices]  # [BN, K, Cmax, Pmax]
    mask_c = idx_c.reshape(1, 1, -1, 1) < cycles[..., None, None]
    mask_p = idx_p.reshape(1, 1, 1, -1) < P[..., None, None]
    mask = (mask_c & mask_p).astype(seqs.dtype)
    gathered = gathered * mask
    seg_all = gathered.sum(axis=2) / jnp.maximum(cycles[..., None], 1)
    seg_all = seg_all.reshape(B, N, K, pmax).transpose(0, 2, 3, 1)
    return seg_all

if __name__ == "__main__":
    import jax
    _d = setup_inputs()
    print(jax.jit(kernel)(*tuple(_d.values())))

</pallas_src>

<mosaic_0001>
#map = affine_map<(d0, d1) -> (0)>
module attributes {stable_mosaic.version = 14 : i64} {
  func.func @_sc_select(%arg0: i32, %arg1: i32, %arg2: memref<1179648xf32, #tpu.memory_space<hbm>>, %arg3: memref<2228224xf32, #tpu.memory_space<hbm>>, %arg4: memref<256xf32, #tpu.memory_space<hbm>>, %arg5: memref<262144xf32, #tpu.memory_space<hbm>>, %arg6: memref<1152xf32, #tpu.memory_space<vmem>>, %arg7: memref<256xf32, #tpu.memory_space<vmem>>, %arg8: memref<256xf32, #tpu.memory_space<vmem>>) attributes {dimension_semantics = [#tpu.dimension_semantics<core_parallel>, #tpu.dimension_semantics<subcore_parallel>], iteration_bounds = array<i64: 2, 16>, scalar_prefetch = 0 : i64, scratch_operands = 3 : i64, tpu.core_type = #tpu.core_type<sc_vector_subcore>, window_params = [{transform_indices = #map}, {transform_indices = #map}, {transform_indices = #map}, {transform_indices = #map}]} {
    %mul3A = arith.constant 2 : i32
    %mul3A_0 = arith.muli %arg1, %mul3A : i32
    %add3A = arith.addi %mul3A_0, %arg0 : i32
    %mul3A_1 = arith.constant 32 : i32
    %mul3A_2 = arith.muli %add3A, %mul3A_1 : i32
    %iota3A = tpu.iota {dimensions = array<i32: 0>} : vector<16xi32>
    %broadcast_in_dim3A = arith.constant -1.000000e+00 : f32
    %broadcast_in_dim3A_3 = vector.broadcast %broadcast_in_dim3A : f32 to vector<16xf32>
    %broadcast_in_dim3A_4 = arith.constant 1073741824 : i32
    %broadcast_in_dim3A_5 = vector.broadcast %broadcast_in_dim3A_4 : i32 to vector<16xi32>
    "tpu.region"() ({
      %run_scoped3A = tpu.sem_alloc : memref<!tpu.dma_semaphore, #tpu.memory_space<semaphore_mem>>
      tpu.enqueue_dma source(%arg4 : memref<256xf32, #tpu.memory_space<hbm>>) target(%arg8 : memref<256xf32, #tpu.memory_space<vmem>>) target_semaphore(%run_scoped3A : memref<!tpu.dma_semaphore, #tpu.memory_space<semaphore_mem>>)
      tpu.wait_dma2 semaphore(%run_scoped3A : memref<!tpu.dma_semaphore, #tpu.memory_space<semaphore_mem>>) src(%arg4 : memref<256xf32, #tpu.memory_space<hbm>>) dst(%arg8 : memref<256xf32, #tpu.memory_space<vmem>>)
      tpu.yield
    }) : () -> ()
    %scan3A = arith.constant 0 : i32
    %scan3A_6 = arith.constant 0 : i32
    %scan3A_7 = arith.constant 32 : i32
    %scan3A_8 = arith.addi %scan3A_6, %scan3A_7 : i32
    %scan3A_9 = arith.constant 1 : i32
    scf.for %scan3A_11 = %scan3A_6 to %scan3A_8 step %scan3A_9  : i32 {
      %add3A_12 = arith.addi %mul3A_2, %scan3A_11 : i32
      %mul3A_13 = arith.constant 1152 : i32
      %mul3A_14 = arith.muli %add3A_12, %mul3A_13 : i32
      %multiple_of3A = tpu.assume_multiple %mul3A_14, 8 : i32
      "tpu.region"() ({
        %run_scoped3A = tpu.sem_alloc : memref<!tpu.dma_semaphore, #tpu.memory_space<semaphore_mem>>
        %dma_start3A = tpu.memref_slice %arg2[%multiple_of3A] : memref<1179648xf32, #tpu.memory_space<hbm>> -> memref<1152xf32, #tpu.memory_space<hbm>>
        %dma_start3A_431 = tpu.memref_slice %arg2[%multiple_of3A] : memref<1179648xf32, #tpu.memory_space<hbm>> -> memref<1152xf32, #tpu.memory_space<hbm>>
        tpu.enqueue_dma source(%dma_start3A_431 : memref<1152xf32, #tpu.memory_space<hbm>>) target(%arg6 : memref<1152xf32, #tpu.memory_space<vmem>>) target_semaphore(%run_scoped3A : memref<!tpu.dma_semaphore, #tpu.memory_space<semaphore_mem>>)
        %dma_wait3A = tpu.memref_slice %arg2[%multiple_of3A] : memref<1179648xf32, #tpu.memory_space<hbm>> -> memref<1152xf32, #tpu.memory_space<hbm>>
        %dma_wait3A_432 = tpu.memref_slice %arg2[%multiple_of3A] : memref<1179648xf32, #tpu.memory_space<hbm>> -> memref<1152xf32, #tpu.memory_space<hbm>>
        tpu.wait_dma2 semaphore(%run_scoped3A : memref<!tpu.dma_semaphore, #tpu.memory_space<semaphore_mem>>) src(%dma_wait3A_432 : memref<1152xf32, #tpu.memory_space<hbm>>) dst(%arg6 : memref<1152xf32, #tpu.memory_space<vmem>>)
        tpu.yield
      }) : () -> ()
      %scan3A_15 = arith.constant 0 : i32
      %scan3A_16 = arith.constant 36 : i32
      %scan3A_17 = arith.addi %scan3A_15, %scan3A_16 : i32
      %scan3A_18 = arith.constant 4 : i32
      %scan3A_19:16 = scf.for %scan3A_431 = %scan3A_15 to %scan3A_17 step %scan3A_18 iter_args(%scan3A_432 = %broadcast_in_dim3A_3, %scan3A_433 = %broadcast_in_dim3A_3, %scan3A_434 = %broadcast_in_dim3A_3, %scan3A_435 = %broadcast_in_dim3A_3, %scan3A_436 = %broadcast_in_dim3A_5, %scan3A_437 = %broadcast_in_dim3A_5, %scan3A_438 = %broadcast_in_dim3A_5, %scan3A_439 = %broadcast_in_dim3A_5, %scan3A_440 = %broadcast_in_dim3A_3, %scan3A_441 = %broadcast_in_dim3A_3, %scan3A_442 = %broadcast_in_dim3A_3, %scan3A_443 = %broadcast_in_dim3A_3, %scan3A_444 = %broadcast_in_dim3A_5, %scan3A_445 = %broadcast_in_dim3A_5, %scan3A_446 = %broadcast_in_dim3A_5, %scan3A_447 = %broadcast_in_dim3A_5) -> (vector<16xf32>, vector<16xf32>, vector<16xf32>, vector<16xf32>, vector<16xi32>, vector<16xi32>, vector<16xi32>, vector<16xi32>, vector<16xf32>, vector<16xf32>, vector<16xf32>, vector<16xf32>, vector<16xi32>, vector<16xi32>, vector<16xi32>, vector<16xi32>)  : i32 {
        %mul3A_448 = arith.constant 16 : i32
        %mul3A_449 = arith.muli %scan3A_431, %mul3A_448 : i32
        %get3A_450 = arith.index_cast %mul3A_449 : i32 to index
        %get3A_451 = tpu.vector_load %arg6[%get3A_450] {strides = array<i32>} : memref<1152xf32, #tpu.memory_space<vmem>>, vector<16xf32>,
        %add3A_452 = arith.constant 36 : i32
        %add3A_453 = arith.addi %scan3A_431, %add3A_452 : i32
        %mul3A_454 = arith.constant 16 : i32
        %mul3A_455 = arith.muli %add3A_453, %mul3A_454 : i32
        %get3A_456 = arith.index_cast %mul3A_455 : i32 to index
        %get3A_457 = tpu.vector_load %arg6[%get3A_456] {strides = array<i32>} : memref<1152xf32, #tpu.memory_space<vmem>>, vector<16xf32>,
        %mul3A_458 = arith.constant 16 : i32
        %mul3A_459 = arith.muli %scan3A_431, %mul3A_458 : i32
        %add3A_460 = vector.broadcast %mul3A_459 : i32 to vector<16xi32>
        %add3A_461 = arith.addi %iota3A, %add3A_460 : vector<16xi32>
        %gt3A = arith.cmpf ogt, %get3A_451, %scan3A_432 : vector<16xf32>
        %select_n3A_462 = arith.select %gt3A, %get3A_451, %scan3A_432 : vector<16xi1>, vector<16xf32>
        %select_n3A_463 = arith.select %gt3A, %add3A_461, %scan3A_436 : vector<16xi1>, vector<16xi32>
        %select_n3A_464 = arith.select %gt3A, %scan3A_432, %get3A_451 : vector<16xi1>, vector<16xf32>
        %select_n3A_465 = arith.select %gt3A, %scan3A_436, %add3A_461 : vector<16xi1>, vector<16xi32>
        %gt3A_466 = arith.cmpf ogt, %select_n3A_464, %scan3A_433 : vector<16xf32>
        %select_n3A_467 = arith.select %gt3A_466, %select_n3A_464, %scan3A_433 : vector<16xi1>, vector<16xf32>
        %select_n3A_468 = arith.select %gt3A_466, %select_n3A_465, %scan3A_437 : vector<16xi1>, vector<16xi32>
        %select_n3A_469 = arith.select %gt3A_466, %scan3A_433, %select_n3A_464 : vector<16xi1>, vector<16xf32>
        %select_n3A_470 = arith.select %gt3A_466, %scan3A_437, %select_n3A_465 : vector<16xi1>, vector<16xi32>
        %gt3A_471 = arith.cmpf ogt, %select_n3A_469, %scan3A_434 : vector<16xf32>
        %select_n3A_472 = arith.select %gt3A_471, %select_n3A_469, %scan3A_434 : vector<16xi1>, vector<16xf32>
        %select_n3A_473 = arith.select %gt3A_471, %select_n3A_470, %scan3A_438 : vector<16xi1>, vector<16xi32>
        %select_n3A_474 = arith.select %gt3A_471, %scan3A_434, %select_n3A_469 : vector<16xi1>, vector<16xf32>
        %select_n3A_475 = arith.select %gt3A_471, %scan3A_438, %select_n3A_470 : vector<16xi1>, vector<16xi32>
        %gt3A_476 = arith.cmpf ogt, %select_n3A_474, %scan3A_435 : vector<16xf32>
        %select_n3A_477 = arith.select %gt3A_476, %select_n3A_474, %scan3A_435 : vector<16xi1>, vector<16xf32>
        %select_n3A_478 = arith.select %gt3A_476, %select_n3A_475, %scan3A_439 : vector<16xi1>, vector<16xi32>
        %add3A_479 = arith.constant 36 : i32
        %add3A_480 = arith.addi %scan3A_431, %add3A_479 : i32
        %mul3A_481 = arith.constant 16 : i32
        %mul3A_482 = arith.muli %add3A_480, %mul3A_481 : i32
        %add3A_483 = vector.broadcast %mul3A_482 : i32 to vector<16xi32>
        %add3A_484 = arith.addi %iota3A, %add3A_483 : vector<16xi32>
        %gt3A_485 = arith.cmpf ogt, %get3A_457, %scan3A_440 : vector<16xf32>
        %select_n3A_486 = arith.select %gt3A_485, %get3A_457, %scan3A_440 : vector<16xi1>, vector<16xf32>
        %select_n3A_487 = arith.select %gt3A_485, %add3A_484, %scan3A_444 : vector<16xi1>, vector<16xi32>
        %select_n3A_488 = arith.select %gt3A_485, %scan3A_440, %get3A_457 : vector<16xi1>, vector<16xf32>
        %select_n3A_489 = arith.select %gt3A_485, %scan3A_444, %add3A_484 : vector<16xi1>, vector<16xi32>
        %gt3A_490 = arith.cmpf ogt, %select_n3A_488, %scan3A_441 : vector<16xf32>
        %select_n3A_491 = arith.select %gt3A_490, %select_n3A_488, %scan3A_441 : vector<16xi1>, vector<16xf32>
        %select_n3A_492 = arith.select %gt3A_490, %select_n3A_489, %scan3A_445 : vector<16xi1>, vector<16xi32>
        %select_n3A_493 = arith.select %gt3A_490, %scan3A_441, %select_n3A_488 : vector<16xi1>, vector<16xf32>
        %select_n3A_494 = arith.select %gt3A_490, %scan3A_445, %select_n3A_489 : vector<16xi1>, vector<16xi32>
        %gt3A_495 = arith.cmpf ogt, %select_n3A_493, %scan3A_442 : vector<16xf32>
        %select_n3A_496 = arith.select %gt3A_495, %select_n3A_493, %scan3A_442 : vector<16xi1>, vector<16xf32>
        %select_n3A_497 = arith.select %gt3A_495, %select_n3A_494, %scan3A_446 : vector<16xi1>, vector<16xi32>
        %select_n3A_498 = arith.select %gt3A_495, %scan3A_442, %select_n3A_493 : vector<16xi1>, vector<16xf32>
        %select_n3A_499 = arith.select %gt3A_495, %scan3A_446, %select_n3A_494 : vector<16xi1>, vector<16xi32>
        %gt3A_500 = arith.cmpf ogt, %select_n3A_498, %scan3A_443 : vector<16xf32>
        %select_n3A_501 = arith.select %gt3A_500, %select_n3A_498, %scan3A_443 : vector<16xi1>, vector<16xf32>
        %select_n3A_502 = arith.select %gt3A_500, %select_n3A_499, %scan3A_447 : vector<16xi1>, vector<16xi32>
        %scan3A_503 = arith.constant 1 : i32
        %scan3A_504 = arith.addi %scan3A_431, %scan3A_503 : i32
        %mul3A_505 = arith.constant 16 : i32
        %mul3A_506 = arith.muli %scan3A_504, %mul3A_505 : i32
        %get3A_507 = arith.index_cast %mul3A_506 : i32 to index
        %get3A_508 = tpu.vector_load %arg6[%get3A_507] {strides = array<i32>} : memref<1152xf32, #tpu.memory_space<vmem>>, vector<16xf32>,
        %add3A_509 = arith.constant 36 : i32
        %add3A_510 = arith.addi %scan3A_504, %add3A_509 : i32
        %mul3A_511 = arith.constant 16 : i32
        %mul3A_512 = arith.muli %add3A_510, %mul3A_511 : i32
        %get3A_513 = arith.index_cast %mul3A_512 : i32 to index
        %get3A_514 = tpu.vector_load %arg6[%get3A_513] {strides = array<i32>} : memref<1152xf32, #tpu.memory_space<vmem>>, vector<16xf32>,
        %mul3A_515 = arith.constant 16 : i32
        %mul3A_516 = arith.muli %scan3A_504, %mul3A_515 : i32
        %add3A_517 = vector.broadcast %mul3A_516 : i32 to vector<16xi32>
        %add3A_518 = arith.addi %iota3A, %add3A_517 : vector<16xi32>
        %gt3A_519 = arith.cmpf ogt, %get3A_508, %select_n3A_462 : vector<16xf32>
        %select_n3A_520 = arith.select %gt3A_519, %get3A_508, %select_n3A_462 : vector<16xi1>, vector<16xf32>
        %select_n3A_521 = arith.select %gt3A_519, %add3A_518, %select_n3A_463 : vector<16xi1>, vector<16xi32>
        %select_n3A_522 = arith.select %gt3A_519, %select_n3A_462, %get3A_508 : vector<16xi1>, vector<16xf32>
        %select_n3A_523 = arith.select %gt3A_519, %select_n3A_463, %add3A_518 : vector<16xi1>, vector<16xi32>
        %gt3A_524 = arith.cmpf ogt, %select_n3A_522, %select_n3A_467 : vector<16xf32>
        %select_n3A_525 = arith.select %gt3A_524, %select_n3A_522, %select_n3A_467 : vector<16xi1>, vector<16xf32>
        %select_n3A_526 = arith.select %gt3A_524, %select_n3A_523, %select_n3A_468 : vector<16xi1>, vector<16xi32>
        %select_n3A_527 = arith.select %gt3A_524, %select_n3A_467, %select_n3A_522 : vector<16xi1>, vector<16xf32>
        %select_n3A_528 = arith.select %gt3A_524, %select_n3A_468, %select_n3A_523 : vector<16xi1>, vector<16xi32>
        %gt3A_529 = arith.cmpf ogt, %select_n3A_527, %select_n3A_472 : vector<16xf32>
        %select_n3A_530 = arith.select %gt3A_529, %select_n3A_527, %select_n3A_472 : vector<16xi1>, vector<16xf32>
        %select_n3A_531 = arith.select %gt3A_529, %select_n3A_528, %select_n3A_473 : vector<16xi1>, vector<16xi32>
        %select_n3A_532 = arith.select %gt3A_529, %select_n3A_472, %select_n3A_527 : vector<16xi1>, vector<16xf32>
        %select_n3A_533 = arith.select %gt3A_529, %select_n3A_473, %select_n3A_528 : vector<16xi1>, vector<16xi32>
        %gt3A_534 = arith.cmpf ogt, %select_n3A_532, %select_n3A_477 : vector<16xf32>
        %select_n3A_535 = arith.select %gt3A_534, %select_n3A_532, %select_n3A_477 : vector<16xi1>, vector<16xf32>
        %select_n3A_536 = arith.select %gt3A_534, %select_n3A_533, %select_n3A_478 : vector<16xi1>, vector<16xi32>
        %add3A_537 = arith.constant 36 : i32
        %add3A_538 = arith.addi %scan3A_504, %add3A_537 : i32
        %mul3A_539 = arith.constant 16 : i32
        %mul3A_540 = arith.muli %add3A_538, %mul3A_539 : i32
        %add3A_541 = vector.broadcast %mul3A_540 : i32 to vector<16xi32>
        %add3A_542 = arith.addi %iota3A, %add3A_541 : vector<16xi32>
        %gt3A_543 = arith.cmpf ogt, %get3A_514, %select_n3A_486 : vector<16xf32>
        %select_n3A_544 = arith.select %gt3A_543, %get3A_514, %select_n3A_486 : vector<16xi1>, vector<16xf32>
        %select_n3A_545 = arith.select %gt3A_543, %add3A_542, %select_n3A_487 : vector<16xi1>, vector<16xi32>
        %select_n3A_546 = arith.select %gt3A_543, %select_n3A_486, %get3A_514 : vector<16xi1>, vector<16xf32>
        %select_n3A_547 = arith.select %gt3A_543, %select_n3A_487, %add3A_542 : vector<16xi1>, vector<16xi32>
        %gt3A_548 = arith.cmpf ogt, %select_n3A_546, %select_n3A_491 : vector<16xf32>
        %select_n3A_549 = arith.select %gt3A_548, %select_n3A_546, %select_n3A_491 : vector<16xi1>, vector<16xf32>
        %select_n3A_550 = arith.select %gt3A_548, %select_n3A_547, %select_n3A_492 : vector<16xi1>, vector<16xi32>
        %select_n3A_551 = arith.select %gt3A_548, %select_n3A_491, %select_n3A_546 : vector<16xi1>, vector<16xf32>
        %select_n3A_552 = arith.select %gt3A_548, %select_n3A_492, %select_n3A_547 : vector<16xi1>, vector<16xi32>
        %gt3A_553 = arith.cmpf ogt, %select_n3A_551, %select_n3A_496 : vector<16xf32>
        %select_n3A_554 = arith.select %gt3A_553, %select_n3A_551, %select_n3A_496 : vector<16xi1>, vector<16xf32>
        %select_n3A_555 = arith.select %gt3A_553, %select_n3A_552, %select_n3A_497 : vector<16xi1>, vector<16xi32>
        %select_n3A_556 = arith.select %gt3A_553, %select_n3A_496, %select_n3A_551 : vector<16xi1>, vector<16xf32>
        %select_n3A_557 = arith.select %gt3A_553, %select_n3A_497, %select_n3A_552 : vector<16xi1>, vector<16xi32>
        %gt3A_558 = arith.cmpf ogt, %select_n3A_556, %select_n3A_501 : vector<16xf32>
        %select_n3A_559 = arith.select %gt3A_558, %select_n3A_556, %select_n3A_501 : vector<16xi1>, vector<16xf32>
        %select_n3A_560 = arith.select %gt3A_558, %select_n3A_557, %select_n3A_502 : vector<16xi1>, vector<16xi32>
        %scan3A_561 = arith.constant 2 : i32
        %scan3A_562 = arith.addi %scan3A_431, %scan3A_561 : i32
        %mul3A_563 = arith.constant 16 : i32
        %mul3A_564 = arith.muli %scan3A_562, %mul3A_563 : i32
        %get3A_565 = arith.index_cast %mul3A_564 : i32 to index
        %get3A_566 = tpu.vector_load %arg6[%get3A_565] {strides = array<i32>} : memref<1152xf32, #tpu.memory_space<vmem>>, vector<16xf32>,
        %add3A_567 = arith.constant 36 : i32
        %add3A_568 = arith.addi %scan3A_562, %add3A_567 : i32
        %mul3A_569 = arith.constant 16 : i32
        %mul3A_570 = arith.muli %add3A_568, %mul3A_569 : i32
        %get3A_571 = arith.index_cast %mul3A_570 : i32 to index
        %get3A_572 = tpu.vector_load %arg6[%get3A_571] {strides = array<i32>} : memref<1152xf32, #tpu.memory_space<vmem>>, vector<16xf32>,
        %mul3A_573 = arith.constant 16 : i32
        %mul3A_574 = arith.muli %scan3A_562, %mul3A_573 : i32
        %add3A_575 = vector.broadcast %mul3A_574 : i32 to vector<16xi32>
        %add3A_576 = arith.addi %iota3A, %add3A_575 : vector<16xi32>
        %gt3A_577 = arith.cmpf ogt, %get3A_566, %select_n3A_520 : vector<16xf32>
        %select_n3A_578 = arith.select %gt3A_577, %get3A_566, %select_n3A_520 : vector<16xi1>, vector<16xf32>
        %select_n3A_579 = arith.select %gt3A_577, %add3A_576, %select_n3A_521 : vector<16xi1>, vector<16xi32>
        %select_n3A_580 = arith.select %gt3A_577, %select_n3A_520, %get3A_566 : vector<16xi1>, vector<16xf32>
        %select_n3A_581 = arith.select %gt3A_577, %select_n3A_521, %add3A_576 : vector<16xi1>, vector<16xi32>
        %gt3A_582 = arith.cmpf ogt, %select_n3A_580, %select_n3A_525 : vector<16xf32>
        %select_n3A_583 = arith.select %gt3A_582, %select_n3A_580, %select_n3A_525 : vector<16xi1>, vector<16xf32>
        %select_n3A_584 = arith.select %gt3A_582, %select_n3A_581, %select_n3A_526 : vector<16xi1>, vector<16xi32>
        %select_n3A_585 = arith.select %gt3A_582, %select_n3A_525, %select_n3A_580 : vector<16xi1>, vector<16xf32>
        %select_n3A_586 = arith.select %gt3A_582, %select_n3A_526, %select_n3A_581 : vector<16xi1>, vector<16xi32>
        %gt3A_587 = arith.cmpf ogt, %select_n3A_585, %select_n3A_530 : vector<16xf32>
        %select_n3A_588 = arith.select %gt3A_587, %select_n3A_585, %select_n3A_530 : vector<16xi1>, vector<16xf32>
        %select_n3A_589 = arith.select %gt3A_587, %select_n3A_586, %select_n3A_531 : vector<16xi1>, vector<16xi32>
        %select_n3A_590 = arith.select %gt3A_587, %select_n3A_530, %select_n3A_585 : vector<16xi1>, vector<16xf32>
        %select_n3A_591 = arith.select %gt3A_587, %select_n3A_531, %select_n3A_586 : vector<16xi1>, vector<16xi32>
        %gt3A_592 = arith.cmpf ogt, %select_n3A_590, %select_n3A_535 : vector<16xf32>
        %select_n3A_593 = arith.select %gt3A_592, %select_n3A_590, %select_n3A_535 : vector<16xi1>, vector<16xf32>
        %select_n3A_594 = arith.select %gt3A_592, %select_n3A_591, %select_n3A_536 : vector<16xi1>, vector<16xi32>
        %add3A_595 = arith.constant 36 : i32
        %add3A_596 = arith.addi %scan3A_562, %add3A_595 : i32
        %mul3A_597 = arith.constant 16 : i32
        %mul3A_598 = arith.muli %add3A_596, %mul3A_597 : i32
        %add3A_599 = vector.broadcast %mul3A_598 : i32 to vector<16xi32>
        %add3A_600 = arith.addi %iota3A, %add3A_599 : vector<16xi32>
        %gt3A_601 = arith.cmpf ogt, %get3A_572, %select_n3A_544 : vector<16xf32>
        %select_n3A_602 = arith.select %gt3A_601, %get3A_572, %select_n3A_544 : vector<16xi1>, vector<16xf32>
        %select_n3A_603 = arith.select %gt3A_601, %add3A_600, %select_n3A_545 : vector<16xi1>, vector<16xi32>
        %select_n3A_604 = arith.select %gt3A_601, %select_n3A_544, %get3A_572 : vector<16xi1>, vector<16xf32>
        %select_n3A_605 = arith.select %gt3A_601, %select_n3A_545, %add3A_600 : vector<16xi1>, vector<16xi32>
        %gt3A_606 = arith.cmpf ogt, %select_n3A_604, %select_n3A_549 : vector<16xf32>
        %select_n3A_607 = arith.select %gt3A_606, %select_n3A_604, %select_n3A_549 : vector<16xi1>, vector<16xf32>
        %select_n3A_608 = arith.select %gt3A_606, %select_n3A_605, %select_n3A_550 : vector<16xi1>, vector<16xi32>
        %select_n3A_609 = arith.select %gt3A_606, %select_n3A_549, %select_n3A_604 : vector<16xi1>, vector<16xf32>
        %select_n3A_610 = arith.select %gt3A_606, %select_n3A_550, %select_n3A_605 : vector<16xi1>, vector<16xi32>
        %gt3A_611 = arith.cmpf ogt, %select_n3A_609, %select_n3A_554 : vector<16xf32>
        %select_n3A_612 = arith.select %gt3A_611, %select_n3A_609, %select_n3A_554 : vector<16xi1>, vector<16xf32>
        %select_n3A_613 = arith.select %gt3A_611, %select_n3A_610, %select_n3A_555 : vector<16xi1>, vector<16xi32>
        %select_n3A_614 = arith.select %gt3A_611, %select_n3A_554, %select_n3A_609 : vector<16xi1>, vector<16xf32>
        %select_n3A_615 = arith.select %gt3A_611, %select_n3A_555, %select_n3A_610 : vector<16xi1>, vector<16xi32>
        %gt3A_616 = arith.cmpf ogt, %select_n3A_614, %select_n3A_559 : vector<16xf32>
        %select_n3A_617 = arith.select %gt3A_616, %select_n3A_614, %select_n3A_559 : vector<16xi1>, vector<16xf32>
        %select_n3A_618 = arith.select %gt3A_616, %select_n3A_615, %select_n3A_560 : vector<16xi1>, vector<16xi32>
        %scan3A_619 = arith.constant 3 : i32
        %scan3A_620 = arith.addi %scan3A_431, %scan3A_619 : i32
        %mul3A_621 = arith.constant 16 : i32
        %mul3A_622 = arith.muli %scan3A_620, %mul3A_621 : i32
        %get3A_623 = arith.index_cast %mul3A_622 : i32 to index
        %get3A_624 = tpu.vector_load %arg6[%get3A_623] {strides = array<i32>} : memref<1152xf32, #tpu.memory_space<vmem>>, vector<16xf32>,
        %add3A_625 = arith.constant 36 : i32
        %add3A_626 = arith.addi %scan3A_620, %add3A_625 : i32
        %mul3A_627 = arith.constant 16 : i32
        %mul3A_628 = arith.muli %add3A_626, %mul3A_627 : i32
        %get3A_629 = arith.index_cast %mul3A_628 : i32 to index
        %get3A_630 = tpu.vector_load %arg6[%get3A_629] {strides = array<i32>} : memref<1152xf32, #tpu.memory_space<vmem>>, vector<16xf32>,
        %mul3A_631 = arith.constant 16 : i32
        %mul3A_632 = arith.muli %scan3A_620, %mul3A_631 : i32
        %add3A_633 = vector.broadcast %mul3A_632 : i32 to vector<16xi32>
        %add3A_634 = arith.addi %iota3A, %add3A_633 : vector<16xi32>
        %gt3A_635 = arith.cmpf ogt, %get3A_624, %select_n3A_578 : vector<16xf32>
        %select_n3A_636 = arith.select %gt3A_635, %get3A_624, %select_n3A_578 : vector<16xi1>, vector<16xf32>
        %select_n3A_637 = arith.select %gt3A_635, %add3A_634, %select_n3A_579 : vector<16xi1>, vector<16xi32>
        %select_n3A_638 = arith.select %gt3A_635, %select_n3A_578, %get3A_624 : vector<16xi1>, vector<16xf32>
        %select_n3A_639 = arith.select %gt3A_635, %select_n3A_579, %add3A_634 : vector<16xi1>, vector<16xi32>
        %gt3A_640 = arith.cmpf ogt, %select_n3A_638, %select_n3A_583 : vector<16xf32>
        %select_n3A_641 = arith.select %gt3A_640, %select_n3A_638, %select_n3A_583 : vector<16xi1>, vector<16xf32>
        %select_n3A_642 = arith.select %gt3A_640, %select_n3A_639, %select_n3A_584 : vector<16xi1>, vector<16xi32>
        %select_n3A_643 = arith.select %gt3A_640, %select_n3A_583, %select_n3A_638 : vector<16xi1>, vector<16xf32>
        %select_n3A_644 = arith.select %gt3A_640, %select_n3A_584, %select_n3A_639 : vector<16xi1>, vector<16xi32>
        %gt3A_645 = arith.cmpf ogt, %select_n3A_643, %select_n3A_588 : vector<16xf32>
        %select_n3A_646 = arith.select %gt3A_645, %select_n3A_643, %select_n3A_588 : vector<16xi1>, vector<16xf32>
        %select_n3A_647 = arith.select %gt3A_645, %select_n3A_644, %select_n3A_589 : vector<16xi1>, vector<16xi32>
        %select_n3A_648 = arith.select %gt3A_645, %select_n3A_588, %select_n3A_643 : vector<16xi1>, vector<16xf32>
        %select_n3A_649 = arith.select %gt3A_645, %select_n3A_589, %select_n3A_644 : vector<16xi1>, vector<16xi32>
        %gt3A_650 = arith.cmpf ogt, %select_n3A_648, %select_n3A_593 : vector<16xf32>
        %select_n3A_651 = arith.select %gt3A_650, %select_n3A_648, %select_n3A_593 : vector<16xi1>, vector<16xf32>
        %select_n3A_652 = arith.select %gt3A_650, %select_n3A_649, %select_n3A_594 : vector<16xi1>, vector<16xi32>
        %add3A_653 = arith.constant 36 : i32
        %add3A_654 = arith.addi %scan3A_620, %add3A_653 : i32
        %mul3A_655 = arith.constant 16 : i32
        %mul3A_656 = arith.muli %add3A_654, %mul3A_655 : i32
        %add3A_657 = vector.broadcast %mul3A_656 : i32 to vector<16xi32>
        %add3A_658 = arith.addi %iota3A, %add3A_657 : vector<16xi32>
        %gt3A_659 = arith.cmpf ogt, %get3A_630, %select_n3A_602 : vector<16xf32>
        %select_n3A_660 = arith.select %gt3A_659, %get3A_630, %select_n3A_602 : vector<16xi1>, vector<16xf32>
        %select_n3A_661 = arith.select %gt3A_659, %add3A_658, %select_n3A_603 : vector<16xi1>, vector<16xi32>
        %select_n3A_662 = arith.select %gt3A_659, %select_n3A_602, %get3A_630 : vector<16xi1>, vector<16xf32>
        %select_n3A_663 = arith.select %gt3A_659, %select_n3A_603, %add3A_658 : vector<16xi1>, vector<16xi32>
        %gt3A_664 = arith.cmpf ogt, %select_n3A_662, %select_n3A_607 : vector<16xf32>
        %select_n3A_665 = arith.select %gt3A_664, %select_n3A_662, %select_n3A_607 : vector<16xi1>, vector<16xf32>
        %select_n3A_666 = arith.select %gt3A_664, %select_n3A_663, %select_n3A_608 : vector<16xi1>, vector<16xi32>
        %select_n3A_667 = arith.select %gt3A_664, %select_n3A_607, %select_n3A_662 : vector<16xi1>, vector<16xf32>
        %select_n3A_668 = arith.select %gt3A_664, %select_n3A_608, %select_n3A_663 : vector<16xi1>, vector<16xi32>
        %gt3A_669 = arith.cmpf ogt, %select_n3A_667, %select_n3A_612 : vector<16xf32>
        %select_n3A_670 = arith.select %gt3A_669, %select_n3A_667, %select_n3A_612 : vector<16xi1>, vector<16xf32>
        %select_n3A_671 = arith.select %gt3A_669, %select_n3A_668, %select_n3A_613 : vector<16xi1>, vector<16xi32>
        %select_n3A_672 = arith.select %gt3A_669, %select_n3A_612, %select_n3A_667 : vector<16xi1>, vector<16xf32>
        %select_n3A_673 = arith.select %gt3A_669, %select_n3A_613, %select_n3A_668 : vector<16xi1>, vector<16xi32>
        %gt3A_674 = arith.cmpf ogt, %select_n3A_672, %select_n3A_617 : vector<16xf32>
        %select_n3A_675 = arith.select %gt3A_674, %select_n3A_672, %select_n3A_617 : vector<16xi1>, vector<16xf32>
        %select_n3A_676 = arith.select %gt3A_674, %select_n3A_673, %select_n3A_618 : vector<16xi1>, vector<16xi32>
        scf.yield %select_n3A_636, %select_n3A_641, %select_n3A_646, %select_n3A_651, %select_n3A_637, %select_n3A_642, %select_n3A_647, %select_n3A_652, %select_n3A_660, %select_n3A_665, %select_n3A_670, %select_n3A_675, %select_n3A_661, %select_n3A_666, %select_n3A_671, %select_n3A_676 : vector<16xf32>, vector<16xf32>, vector<16xf32>, vector<16xf32>, vector<16xi32>, vector<16xi32>, vector<16xi32>, vector<16xi32>, vector<16xf32>, vector<16xf32>, vector<16xf32>, vector<16xf32>, vector<16xi32>, vector<16xi32>, vector<16xi32>, vector<16xi32>
      }
      %scan3A_20 = arith.constant 36 : i32
      %max3A = arith.maximumf %scan3A_19#0, %scan3A_19#1 : vector<16xf32>
      %max3A_21 = arith.maximumf %max3A, %scan3A_19#2 : vector<16xf32>
      %max3A_22 = arith.maximumf %max3A_21, %scan3A_19#3 : vector<16xf32>
      %max3A_23 = arith.maximumf %max3A_22, %scan3A_19#8 : vector<16xf32>
      %max3A_24 = arith.maximumf %max3A_23, %scan3A_19#9 : vector<16xf32>
      %max3A_25 = arith.maximumf %max3A_24, %scan3A_19#10 : vector<16xf32>
      %max3A_26 = arith.maximumf %max3A_25, %scan3A_19#11 : vector<16xf32>
      %reduce_max3A = arith.constant true
      %reduce_max3A_27 = vector.broadcast %reduce_max3A : i1 to vector<16xi1>
      %reduce_max3A_28 = tpu.scan <max>, %max3A_26 masked %reduce_max3A_27 : vector<16xf32>, vector<16xi1> -> vector<16xf32>
      %reduce_max3A_29 = vector.extract %reduce_max3A_28[15] : f32 from vector<16xf32>
      %broadcast_in_dim3A_30 = vector.broadcast %reduce_max3A_29 : f32 to vector<16xf32>
      %eq3A = arith.cmpf oeq, %scan3A_19#0, %broadcast_in_dim3A_30 : vector<16xf32>
      %select_n3A = arith.select %eq3A, %scan3A_19#4, %broadcast_in_dim3A_5 : vector<16xi1>, vector<16xi32>
      %eq3A_31 = arith.cmpf oeq, %scan3A_19#1, %broadcast_in_dim3A_30 : vector<16xf32>
      %select_n3A_32 = arith.select %eq3A_31, %scan3A_19#5, %broadcast_in_dim3A_5 : vector<16xi1>, vector<16xi32>
      %min3A = arith.minsi %select_n3A, %select_n3A_32 : vector<16xi32>
      %eq3A_33 = arith.cmpf oeq, %scan3A_19#2, %broadcast_in_dim3A_30 : vector<16xf32>
      %select_n3A_34 = arith.select %eq3A_33, %scan3A_19#6, %broadcast_in_dim3A_5 : vector<16xi1>, vector<16xi32>
      %min3A_35 = arith.minsi %min3A, %select_n3A_34 : vector<16xi32>
      %eq3A_36 = arith.cmpf oeq, %scan3A_19#3, %broadcast_in_dim3A_30 : vector<16xf32>
      %select_n3A_37 = arith.select %eq3A_36, %scan3A_19#7, %broadcast_in_dim3A_5 : vector<16xi1>, vector<16xi32>
      %min3A_38 = arith.minsi %min3A_35, %select_n3A_37 : vector<16xi32>
      %eq3A_39 = arith.cmpf oeq, %scan3A_19#8, %broadcast_in_dim3A_30 : vector<16xf32>
      %select_n3A_40 = arith.select %eq3A_39, %scan3A_19#12, %broadcast_in_dim3A_5 : vector<16xi1>, vector<16xi32>
      %min3A_41 = arith.minsi %min3A_38, %select_n3A_40 : vector<16xi32>
      %eq3A_42 = arith.cmpf oeq, %scan3A_19#9, %broadcast_in_dim3A_30 : vector<16xf32>
      %select_n3A_43 = arith.select %eq3A_42, %scan3A_19#13, %broadcast_in_dim3A_5 : vector<16xi1>, vector<16xi32>
      %min3A_44 = arith.minsi %min3A_41, %select_n3A_43 : vector<16xi32>
      %eq3A_45 = arith.cmpf oeq, %scan3A_19#10, %broadcast_in_dim3A_30 : vector<16xf32>
      %select_n3A_46 = arith.select %eq3A_45, %scan3A_19#14, %broadcast_in_dim3A_5 : vector<16xi1>, vector<16xi32>
      %min3A_47 = arith.minsi %min3A_44, %select_n3A_46 : vector<16xi32>
      %eq3A_48 = arith.cmpf oeq, %scan3A_19#11, %broadcast_in_dim3A_30 : vector<16xf32>
      %select_n3A_49 = arith.select %eq3A_48, %scan3A_19#15, %broadcast_in_dim3A_5 : vector<16xi1>, vector<16xi32>
      %min3A_50 = arith.minsi %min3A_47, %select_n3A_49 : vector<16xi32>
      %reduce_min3A = arith.constant true
      %reduce_min3A_51 = vector.broadcast %reduce_min3A : i1 to vector<16xi1>
      %reduce_min3A_52 = arith.constant -2147483648 : i32
      %reduce_min3A_53 = vector.broadcast %reduce_min3A_52 : i32 to vector<16xi32>
      %reduce_min3A_54 = arith.xori %min3A_50, %reduce_min3A_53 : vector<16xi32>
      %reduce_min3A_55 = tpu.scan <min>, %reduce_min3A_54 masked %reduce_min3A_51 : vector<16xi32>, vector<16xi1> -> vector<16xi32>
      %reduce_min3A_56 = arith.xori %reduce_min3A_55, %reduce_min3A_53 : vector<16xi32>
      %reduce_min3A_57 = vector.extract %reduce_min3A_56[15] : i32 from vector<16xi32>
      %broadcast_in_dim3A_58 = vector.broadcast %reduce_min3A_57 : i32 to vector<16xi32>
      %eq3A_59 = arith.cmpi eq, %scan3A_19#4, %broadcast_in_dim3A_58 : vector<16xi32>
      %select_n3A_60 = arith.select %eq3A_59, %broadcast_in_dim3A_3, %scan3A_19#0 : vector<16xi1>, vector<16xf32>
      %eq3A_61 = arith.cmpi eq, %scan3A_19#5, %broadcast_in_dim3A_58 : vector<16xi32>
      %select_n3A_62 = arith.select %eq3A_61, %broadcast_in_dim3A_3, %scan3A_19#1 : vector<16xi1>, vector<16xf32>
      %eq3A_63 = arith.cmpi eq, %scan3A_19#6, %broadcast_in_dim3A_58 : vector<16xi32>
      %select_n3A_64 = arith.select %eq3A_63, %broadcast_in_dim3A_3, %scan3A_19#2 : vector<16xi1>, vector<16xf32>
      %eq3A_65 = arith.cmpi eq, %scan3A_19#7, %broadcast_in_dim3A_58 : vector<16xi32>
      %select_n3A_66 = arith.select %eq3A_65, %broadcast_in_dim3A_3, %scan3A_19#3 : vector<16xi1>, vector<16xf32>
      %eq3A_67 = arith.cmpi eq, %scan3A_19#12, %broadcast_in_dim3A_58 : vector<16xi32>
      %select_n3A_68 = arith.select %eq3A_67, %broadcast_in_dim3A_3, %scan3A_19#8 : vector<16xi1>, vector<16xf32>
      %eq3A_69 = arith.cmpi eq, %scan3A_19#13, %broadcast_in_dim3A_58 : vector<16xi32>
      %select_n3A_70 = arith.select %eq3A_69, %broadcast_in_dim3A_3, %scan3A_19#9 : vector<16xi1>, vector<16xf32>
      %eq3A_71 = arith.cmpi eq, %scan3A_19#14, %broadcast_in_dim3A_58 : vector<16xi32>
      %select_n3A_72 = arith.select %eq3A_71, %broadcast_in_dim3A_3, %scan3A_19#10 : vector<16xi1>, vector<16xf32>
      %eq3A_73 = arith.cmpi eq, %scan3A_19#15, %broadcast_in_dim3A_58 : vector<16xi32>
      %select_n3A_74 = arith.select %eq3A_73, %broadcast_in_dim3A_3, %scan3A_19#11 : vector<16xi1>, vector<16xf32>
      %max3A_75 = arith.constant 1 : i32
      %max3A_76 = arith.maxsi %reduce_min3A_57, %max3A_75 : i32
      %min3A_77 = arith.constant 127 : i32
      %min3A_78 = arith.minsi %max3A_76, %min3A_77 : i32
      %broadcast_in_dim3A_79 = vector.broadcast %min3A_78 : i32 to vector<16xi32>
      %eq3A_80 = arith.constant 1 : i32
      %eq3A_81 = vector.broadcast %eq3A_80 : i32 to vector<16xi32>
      %eq3A_82 = arith.cmpi eq, %iota3A, %eq3A_81 : vector<16xi32>
      %jit3A = arith.constant 128 : i32
      %jit3A_83 = arith.constant 0 : i32
      %broadcast_in_dim3A_84 = vector.broadcast %jit3A : i32 to vector<16xi32>
      %broadcast_in_dim3A_85 = vector.broadcast %jit3A_83 : i32 to vector<16xi32>
      %select_n3A_86 = arith.select %eq3A_82, %broadcast_in_dim3A_84, %broadcast_in_dim3A_85 : vector<16xi1>, vector<16xi32>
      %add3A_87 = arith.addi %broadcast_in_dim3A_79, %select_n3A_86 : vector<16xi32>
      %gather3A = tpu.vector_load_idx %arg8[%add3A_87] : memref<256xf32, #tpu.memory_space<vmem>>[vector<16xi32>], vector<16xf32>,
      %slice3A = vector.extract_strided_slice %gather3A {offsets = [0], sizes = [1], strides = [1]} : vector<16xf32> to vector<1xf32>
      %squeeze3A = vector.extract %slice3A[0] : f32 from vector<1xf32>
      %convert_element_type3A = arith.fptosi %squeeze3A : f32 to i32
      %slice3A_88 = vector.extract_strided_slice %gather3A {offsets = [1], sizes = [1], strides = [1]} : vector<16xf32> to vector<1xf32>
      %squeeze3A_89 = vector.extract %slice3A_88[0] : f32 from vector<1xf32>
      %broadcast_in_dim3A_90 = vector.broadcast %squeeze3A_89 : f32 to vector<16xf32>
      %mul3A_91 = arith.constant 2176 : i32
      %mul3A_92 = arith.muli %add3A_12, %mul3A_91 : i32
      %add3A_93 = arith.addi %mul3A_92, %convert_element_type3A : i32
      %multiple_of3A_94 = tpu.assume_multiple %add3A_93, 8 : i32
      "tpu.region"() ({
        %run_scoped3A = tpu.sem_alloc : memref<!tpu.dma_semaphore, #tpu.memory_space<semaphore_mem>>
        %dma_start3A = arith.constant 0 : i32
        %dma_start3A_431 = tpu.memref_slice %arg7[%dma_start3A] : memref<256xf32, #tpu.memory_space<vmem>> -> memref<64xf32, #tpu.memory_space<vmem>>
        %dma_start3A_432 = tpu.memref_slice %arg3[%multiple_of3A_94] : memref<2228224xf32, #tpu.memory_space<hbm>> -> memref<64xf32, #tpu.memory_space<hbm>>
        %dma_start3A_433 = arith.constant 0 : i32
        %dma_start3A_434 = tpu.memref_slice %arg7[%dma_start3A_433] : memref<256xf32, #tpu.memory_space<vmem>> -> memref<64xf32, #tpu.memory_space<vmem>>
        %dma_start3A_435 = tpu.memref_slice %arg3[%multiple_of3A_94] : memref<2228224xf32, #tpu.memory_space<hbm>> -> memref<64xf32, #tpu.memory_space<hbm>>
        tpu.enqueue_dma source(%dma_start3A_435 : memref<64xf32, #tpu.memory_space<hbm>>) target(%dma_start3A_434 : memref<64xf32, #tpu.memory_space<vmem>>) target_semaphore(%run_scoped3A : memref<!tpu.dma_semaphore, #tpu.memory_space<semaphore_mem>>)
        %dma_wait3A = arith.constant 0 : i32
        %dma_wait3A_436 = tpu.memref_slice %arg7[%dma_wait3A] : memref<256xf32, #tpu.memory_space<vmem>> -> memref<64xf32, #tpu.memory_space<vmem>>
        %dma_wait3A_437 = tpu.memref_slice %arg3[%multiple_of3A_94] : memref<2228224xf32, #tpu.memory_space<hbm>> -> memref<64xf32, #tpu.memory_space<hbm>>
        %dma_wait3A_438 = arith.constant 0 : i32
        %dma_wait3A_439 = tpu.memref_slice %arg7[%dma_wait3A_438] : memref<256xf32, #tpu.memory_space<vmem>> -> memref<64xf32, #tpu.memory_space<vmem>>
        %dma_wait3A_440 = tpu.memref_slice %arg3[%multiple_of3A_94] : memref<2228224xf32, #tpu.memory_space<hbm>> -> memref<64xf32, #tpu.memory_space<hbm>>
        tpu.wait_dma2 semaphore(%run_scoped3A : memref<!tpu.dma_semaphore, #tpu.memory_space<semaphore_mem>>) src(%dma_wait3A_440 : memref<64xf32, #tpu.memory_space<hbm>>) dst(%dma_wait3A_439 : memref<64xf32, #tpu.memory_space<vmem>>)
        tpu.yield
      }) : () -> ()
      %get3A = arith.constant 0 : index
      %get3A_95 = tpu.vector_load %arg7[%get3A] {strides = array<i32>} : memref<256xf32, #tpu.memory_space<vmem>>, vector<16xf32>,
      %mul3A_96 = arith.mulf %get3A_95, %broadcast_in_dim3A_90 : vector<16xf32>
      %swap3A = arith.constant 0 : index
      %swap3A_97 = tpu.vector_load %arg7[%swap3A] {strides = array<i32>} : memref<256xf32, #tpu.memory_space<vmem>>, vector<16xf32>,
      tpu.vector_store %arg7[%swap3A], %mul3A_96 {strides = array<i32>} : memref<256xf32, #tpu.memory_space<vmem>>, vector<16xf32>,
      %get3A_98 = arith.constant 16 : index
      %get3A_99 = tpu.vector_load %arg7[%get3A_98] {strides = array<i32>} : memref<256xf32, #tpu.memory_space<vmem>>, vector<16xf32>,
      %mul3A_100 = arith.mulf %get3A_99, %broadcast_in_dim3A_90 : vector<16xf32>
      %swap3A_101 = arith.constant 16 : index
      %swap3A_102 = tpu.vector_load %arg7[%swap3A_101] {strides = array<i32>} : memref<256xf32, #tpu.memory_space<vmem>>, vector<16xf32>,
      tpu.vector_store %arg7[%swap3A_101], %mul3A_100 {strides = array<i32>} : memref<256xf32, #tpu.memory_space<vmem>>, vector<16xf32>,
      %get3A_103 = arith.constant 32 : index
      %get3A_104 = tpu.vector_load %arg7[%get3A_103] {strides = array<i32>} : memref<256xf32, #tpu.memory_space<vmem>>, vector<16xf32>,
      %mul3A_105 = arith.mulf %get3A_104, %broadcast_in_dim3A_90 : vector<16xf32>
      %swap3A_106 = arith.constant 32 : index
      %swap3A_107 = tpu.vector_load %arg7[%swap3A_106] {strides = array<i32>} : memref<256xf32, #tpu.memory_space<vmem>>, vector<16xf32>,
      tpu.vector_store %arg7[%swap3A_106], %mul3A_105 {strides = array<i32>} : memref<256xf32, #tpu.memory_space<vmem>>, vector<16xf32>,
      %get3A_108 = arith.constant 48 : index
      %get3A_109 = tpu.vector_load %arg7[%get3A_108] {strides = array<i32>} : memref<256xf32, #tpu.memory_space<vmem>>, vector<16xf32>,
      %mul3A_110 = arith.mulf %get3A_109, %broadcast_in_dim3A_90 : vector<16xf32>
      %swap3A_111 = arith.constant 48 : index
      %swap3A_112 = tpu.vector_load %arg7[%swap3A_111] {strides = array<i32>} : memref<256xf32, #tpu.memory_space<vmem>>, vector<16xf32>,
      tpu.vector_store %arg7[%swap3A_111], %mul3A_110 {strides = array<i32>} : memref<256xf32, #tpu.memory_space<vmem>>, vector<16xf32>,
      %max3A_113 = arith.maximumf %select_n3A_60, %select_n3A_62 : vector<16xf32>
      %max3A_114 = arith.maximumf %max3A_113, %select_n3A_64 : vector<16xf32>
      %max3A_115 = arith.maximumf %max3A_114, %select_n3A_66 : vector<16xf32>
      %max3A_116 = arith.maximumf %max3A_115, %select_n3A_68 : vector<16xf32>
      %max3A_117 = arith.maximumf %max3A_116, %select_n3A_70 : vector<16xf32>
      %max3A_118 = arith.maximumf %max3A_117, %select_n3A_72 : vector<16xf32>
      %max3A_119 = arith.maximumf %max3A_118, %select_n3A_74 : vector<16xf32>
      %reduce_max3A_120 = arith.constant true
      %reduce_max3A_121 = vector.broadcast %reduce_max3A_120 : i1 to vector<16xi1>
      %reduce_max3A_122 = tpu.scan <max>, %max3A_119 masked %reduce_max3A_121 : vector<16xf32>, vector<16xi1> -> vector<16xf32>
      %reduce_max3A_123 = vector.extract %reduce_max3A_122[15] : f32 from vector<16xf32>
      %broadcast_in_dim3A_124 = vector.broadcast %reduce_max3A_123 : f32 to vector<16xf32>
      %eq3A_125 = arith.cmpf oeq, %select_n3A_60, %broadcast_in_dim3A_124 : vector<16xf32>
      %select_n3A_126 = arith.select %eq3A_125, %scan3A_19#4, %broadcast_in_dim3A_5 : vector<16xi1>, vector<16xi32>
      %eq3A_127 = arith.cmpf oeq, %select_n3A_62, %broadcast_in_dim3A_124 : vector<16xf32>
      %select_n3A_128 = arith.select %eq3A_127, %scan3A_19#5, %broadcast_in_dim3A_5 : vector<16xi1>, vector<16xi32>
      %min3A_129 = arith.minsi %select_n3A_126, %select_n3A_128 : vector<16xi32>
      %eq3A_130 = arith.cmpf oeq, %select_n3A_64, %broadcast_in_dim3A_124 : vector<16xf32>
      %select_n3A_131 = arith.select %eq3A_130, %scan3A_19#6, %broadcast_in_dim3A_5 : vector<16xi1>, vector<16xi32>
      %min3A_132 = arith.minsi %min3A_129, %select_n3A_131 : vector<16xi32>
      %eq3A_133 = arith.cmpf oeq, %select_n3A_66, %broadcast_in_dim3A_124 : vector<16xf32>
      %select_n3A_134 = arith.select %eq3A_133, %scan3A_19#7, %broadcast_in_dim3A_5 : vector<16xi1>, vector<16xi32>
      %min3A_135 = arith.minsi %min3A_132, %select_n3A_134 : vector<16xi32>
      %eq3A_136 = arith.cmpf oeq, %select_n3A_68, %broadcast_in_dim3A_124 : vector<16xf32>
      %select_n3A_137 = arith.select %eq3A_136, %scan3A_19#12, %broadcast_in_dim3A_5 : vector<16xi1>, vector<16xi32>
      %min3A_138 = arith.minsi %min3A_135, %select_n3A_137 : vector<16xi32>
      %eq3A_139 = arith.cmpf oeq, %select_n3A_70, %broadcast_in_dim3A_124 : vector<16xf32>
      %select_n3A_140 = arith.select %eq3A_139, %scan3A_19#13, %broadcast_in_dim3A_5 : vector<16xi1>, vector<16xi32>
      %min3A_141 = arith.minsi %min3A_138, %select_n3A_140 : vector<16xi32>
      %eq3A_142 = arith.cmpf oeq, %select_n3A_72, %broadcast_in_dim3A_124 : vector<16xf32>
      %select_n3A_143 = arith.select %eq3A_142, %scan3A_19#14, %broadcast_in_dim3A_5 : vector<16xi1>, vector<16xi32>
      %min3A_144 = arith.minsi %min3A_141, %select_n3A_143 : vector<16xi32>
      %eq3A_145 = arith.cmpf oeq, %select_n3A_74, %broadcast_in_dim3A_124 : vector<16xf32>
      %select_n3A_146 = arith.select %eq3A_145, %scan3A_19#15, %broadcast_in_dim3A_5 : vector<16xi1>, vector<16xi32>
      %min3A_147 = arith.minsi %min3A_144, %select_n3A_146 : vector<16xi32>
      %reduce_min3A_148 = arith.constant true
      %reduce_min3A_149 = vector.broadcast %reduce_min3A_148 : i1 to vector<16xi1>
      %reduce_min3A_150 = arith.constant -2147483648 : i32
      %reduce_min3A_151 = vector.broadcast %reduce_min3A_150 : i32 to vector<16xi32>
      %reduce_min3A_152 = arith.xori %min3A_147, %reduce_min3A_151 : vector<16xi32>
      %reduce_min3A_153 = tpu.scan <min>, %reduce_min3A_152 masked %reduce_min3A_149 : vector<16xi32>, vector<16xi1> -> vector<16xi32>
      %reduce_min3A_154 = arith.xori %reduce_min3A_153, %reduce_min3A_151 : vector<16xi32>
      %reduce_min3A_155 = vector.extract %reduce_min3A_154[15] : i32 from vector<16xi32>
      %broadcast_in_dim3A_156 = vector.broadcast %reduce_min3A_155 : i32 to vector<16xi32>
      %eq3A_157 = arith.cmpi eq, %scan3A_19#4, %broadcast_in_dim3A_156 : vector<16xi32>
      %select_n3A_158 = arith.select %eq3A_157, %broadcast_in_dim3A_3, %select_n3A_60 : vector<16xi1>, vector<16xf32>
      %eq3A_159 = arith.cmpi eq, %scan3A_19#5, %broadcast_in_dim3A_156 : vector<16xi32>
      %select_n3A_160 = arith.select %eq3A_159, %broadcast_in_dim3A_3, %select_n3A_62 : vector<16xi1>, vector<16xf32>
      %eq3A_161 = arith.cmpi eq, %scan3A_19#6, %broadcast_in_dim3A_156 : vector<16xi32>
      %select_n3A_162 = arith.select %eq3A_161, %broadcast_in_dim3A_3, %select_n3A_64 : vector<16xi1>, vector<16xf32>
      %eq3A_163 = arith.cmpi eq, %scan3A_19#7, %broadcast_in_dim3A_156 : vector<16xi32>
      %select_n3A_164 = arith.select %eq3A_163, %broadcast_in_dim3A_3, %select_n3A_66 : vector<16xi1>, vector<16xf32>
      %eq3A_165 = arith.cmpi eq, %scan3A_19#12, %broadcast_in_dim3A_156 : vector<16xi32>
      %select_n3A_166 = arith.select %eq3A_165, %broadcast_in_dim3A_3, %select_n3A_68 : vector<16xi1>, vector<16xf32>
      %eq3A_167 = arith.cmpi eq, %scan3A_19#13, %broadcast_in_dim3A_156 : vector<16xi32>
      %select_n3A_168 = arith.select %eq3A_167, %broadcast_in_dim3A_3, %select_n3A_70 : vector<16xi1>, vector<16xf32>
      %eq3A_169 = arith.cmpi eq, %scan3A_19#14, %broadcast_in_dim3A_156 : vector<16xi32>
      %select_n3A_170 = arith.select %eq3A_169, %broadcast_in_dim3A_3, %select_n3A_72 : vector<16xi1>, vector<16xf32>
      %eq3A_171 = arith.cmpi eq, %scan3A_19#15, %broadcast_in_dim3A_156 : vector<16xi32>
      %select_n3A_172 = arith.select %eq3A_171, %broadcast_in_dim3A_3, %select_n3A_74 : vector<16xi1>, vector<16xf32>
      %max3A_173 = arith.constant 1 : i32
      %max3A_174 = arith.maxsi %reduce_min3A_155, %max3A_173 : i32
      %min3A_175 = arith.constant 127 : i32
      %min3A_176 = arith.minsi %max3A_174, %min3A_175 : i32
      %broadcast_in_dim3A_177 = vector.broadcast %min3A_176 : i32 to vector<16xi32>
      %eq3A_178 = arith.constant 1 : i32
      %eq3A_179 = vector.broadcast %eq3A_178 : i32 to vector<16xi32>
      %eq3A_180 = arith.cmpi eq, %iota3A, %eq3A_179 : vector<16xi32>
      %jit3A_181 = arith.constant 128 : i32
      %jit3A_182 = arith.constant 0 : i32
      %broadcast_in_dim3A_183 = vector.broadcast %jit3A_181 : i32 to vector<16xi32>
      %broadcast_in_dim3A_184 = vector.broadcast %jit3A_182 : i32 to vector<16xi32>
      %select_n3A_185 = arith.select %eq3A_180, %broadcast_in_dim3A_183, %broadcast_in_dim3A_184 : vector<16xi1>, vector<16xi32>
      %add3A_186 = arith.addi %broadcast_in_dim3A_177, %select_n3A_185 : vector<16xi32>
      %gather3A_187 = tpu.vector_load_idx %arg8[%add3A_186] : memref<256xf32, #tpu.memory_space<vmem>>[vector<16xi32>], vector<16xf32>,
      %slice3A_188 = vector.extract_strided_slice %gather3A_187 {offsets = [0], sizes = [1], strides = [1]} : vector<16xf32> to vector<1xf32>
      %squeeze3A_189 = vector.extract %slice3A_188[0] : f32 from vector<1xf32>
      %convert_element_type3A_190 = arith.fptosi %squeeze3A_189 : f32 to i32
      %slice3A_191 = vector.extract_strided_slice %gather3A_187 {offsets = [1], sizes = [1], strides = [1]} : vector<16xf32> to vector<1xf32>
      %squeeze3A_192 = vector.extract %slice3A_191[0] : f32 from vector<1xf32>
      %broadcast_in_dim3A_193 = vector.broadcast %squeeze3A_192 : f32 to vector<16xf32>
      %mul3A_194 = arith.constant 2176 : i32
      %mul3A_195 = arith.muli %add3A_12, %mul3A_194 : i32
      %add3A_196 = arith.addi %mul3A_195, %convert_element_type3A_190 : i32
      %multiple_of3A_197 = tpu.assume_multiple %add3A_196, 8 : i32
      "tpu.region"() ({
        %run_scoped3A = tpu.sem_alloc : memref<!tpu.dma_semaphore, #tpu.memory_space<semaphore_mem>>
        %dma_start3A = arith.constant 64 : i32
        %dma_start3A_431 = tpu.memref_slice %arg7[%dma_start3A] : memref<256xf32, #tpu.memory_space<vmem>> -> memref<64xf32, #tpu.memory_space<vmem>>
        %dma_start3A_432 = tpu.memref_slice %arg3[%multiple_of3A_197] : memref<2228224xf32, #tpu.memory_space<hbm>> -> memref<64xf32, #tpu.memory_space<hbm>>
        %dma_start3A_433 = arith.constant 64 : i32
        %dma_start3A_434 = tpu.memref_slice %arg7[%dma_start3A_433] : memref<256xf32, #tpu.memory_space<vmem>> -> memref<64xf32, #tpu.memory_space<vmem>>
        %dma_start3A_435 = tpu.memref_slice %arg3[%multiple_of3A_197] : memref<2228224xf32, #tpu.memory_space<hbm>> -> memref<64xf32, #tpu.memory_space<hbm>>
        tpu.enqueue_dma source(%dma_start3A_435 : memref<64xf32, #tpu.memory_space<hbm>>) target(%dma_start3A_434 : memref<64xf32, #tpu.memory_space<vmem>>) target_semaphore(%run_scoped3A : memref<!tpu.dma_semaphore, #tpu.memory_space<semaphore_mem>>)
        %dma_wait3A = arith.constant 64 : i32
        %dma_wait3A_436 = tpu.memref_slice %arg7[%dma_wait3A] : memref<256xf32, #tpu.memory_space<vmem>> -> memref<64xf32, #tpu.memory_space<vmem>>
        %dma_wait3A_437 = tpu.memref_slice %arg3[%multiple_of3A_197] : memref<2228224xf32, #tpu.memory_space<hbm>> -> memref<64xf32, #tpu.memory_space<hbm>>
        %dma_wait3A_438 = arith.constant 64 : i32
        %dma_wait3A_439 = tpu.memref_slice %arg7[%dma_wait3A_438] : memref<256xf32, #tpu.memory_space<vmem>> -> memref<64xf32, #tpu.memory_space<vmem>>
        %dma_wait3A_440 = tpu.memref_slice %arg3[%multiple_of3A_197] : memref<2228224xf32, #tpu.memory_space<hbm>> -> memref<64xf32, #tpu.memory_space<hbm>>
        tpu.wait_dma2 semaphore(%run_scoped3A : memref<!tpu.dma_semaphore, #tpu.memory_space<semaphore_mem>>) src(%dma_wait3A_440 : memref<64xf32, #tpu.memory_space<hbm>>) dst(%dma_wait3A_439 : memref<64xf32, #tpu.memory_space<vmem>>)
        tpu.yield
      }) : () -> ()
      %get3A_198 = arith.constant 64 : index
      %get3A_199 = tpu.vector_load %arg7[%get3A_198] {strides = array<i32>} : memref<256xf32, #tpu.memory_space<vmem>>, vector<16xf32>,
      %mul3A_200 = arith.mulf %get3A_199, %broadcast_in_dim3A_193 : vector<16xf32>
      %swap3A_201 = arith.constant 64 : index
      %swap3A_202 = tpu.vector_load %arg7[%swap3A_201] {strides = array<i32>} : memref<256xf32, #tpu.memory_space<vmem>>, vector<16xf32>,
      tpu.vector_store %arg7[%swap3A_201], %mul3A_200 {strides = array<i32>} : memref<256xf32, #tpu.memory_space<vmem>>, vector<16xf32>,
      %get3A_203 = arith.constant 80 : index
      %get3A_204 = tpu.vector_load %arg7[%get3A_203] {strides = array<i32>} : memref<256xf32, #tpu.memory_space<vmem>>, vector<16xf32>,
      %mul3A_205 = arith.mulf %get3A_204, %broadcast_in_dim3A_193 : vector<16xf32>
      %swap3A_206 = arith.constant 80 : index
      %swap3A_207 = tpu.vector_load %arg7[%swap3A_206] {strides = array<i32>} : memref<256xf32, #tpu.memory_space<vmem>>, vector<16xf32>,
      tpu.vector_store %arg7[%swap3A_206], %mul3A_205 {strides = array<i32>} : memref<256xf32, #tpu.memory_space<vmem>>, vector<16xf32>,
      %get3A_208 = arith.constant 96 : index
      %get3A_209 = tpu.vector_load %arg7[%get3A_208] {strides = array<i32>} : memref<256xf32, #tpu.memory_space<vmem>>, vector<16xf32>,
      %mul3A_210 = arith.mulf %get3A_209, %broadcast_in_dim3A_193 : vector<16xf32>
      %swap3A_211 = arith.constant 96 : index
      %swap3A_212 = tpu.vector_load %arg7[%swap3A_211] {strides = array<i32>} : memref<256xf32, #tpu.memory_space<vmem>>, vector<16xf32>,
      tpu.vector_store %arg7[%swap3A_211], %mul3A_210 {strides = array<i32>} : memref<256xf32, #tpu.memory_space<vmem>>, vector<16xf32>,
      %get3A_213 = arith.constant 112 : index
      %get3A_214 = tpu.vector_load %arg7[%get3A_213] {strides = array<i32>} : memref<256xf32, #tpu.memory_space<vmem>>, vector<16xf32>,
      %mul3A_215 = arith.mulf %get3A_214, %broadcast_in_dim3A_193 : vector<16xf32>
      %swap3A_216 = arith.constant 112 : index
      %swap3A_217 = tpu.vector_load %arg7[%swap3A_216] {strides = array<i32>} : memref<256xf32, #tpu.memory_space<vmem>>, vector<16xf32>,
      tpu.vector_store %arg7[%swap3A_216], %mul3A_215 {strides = array<i32>} : memref<256xf32, #tpu.memory_space<vmem>>, vector<16xf32>,
      %max3A_218 = arith.maximumf %select_n3A_158, %select_n3A_160 : vector<16xf32>
      %max3A_219 = arith.maximumf %max3A_218, %select_n3A_162 : vector<16xf32>
      %max3A_220 = arith.maximumf %max3A_219, %select_n3A_164 : vector<16xf32>
      %max3A_221 = arith.maximumf %max3A_220, %select_n3A_166 : vector<16xf32>
      %max3A_222 = arith.maximumf %max3A_221, %select_n3A_168 : vector<16xf32>
      %max3A_223 = arith.maximumf %max3A_222, %select_n3A_170 : vector<16xf32>
      %max3A_224 = arith.maximumf %max3A_223, %select_n3A_172 : vector<16xf32>
      %reduce_max3A_225 = arith.constant true
      %reduce_max3A_226 = vector.broadcast %reduce_max3A_225 : i1 to vector<16xi1>
      %reduce_max3A_227 = tpu.scan <max>, %max3A_224 masked %reduce_max3A_226 : vector<16xf32>, vector<16xi1> -> vector<16xf32>
      %reduce_max3A_228 = vector.extract %reduce_max3A_227[15] : f32 from vector<16xf32>
      %broadcast_in_dim3A_229 = vector.broadcast %reduce_max3A_228 : f32 to vector<16xf32>
      %eq3A_230 = arith.cmpf oeq, %select_n3A_158, %broadcast_in_dim3A_229 : vector<16xf32>
      %select_n3A_231 = arith.select %eq3A_230, %scan3A_19#4, %broadcast_in_dim3A_5 : vector<16xi1>, vector<16xi32>
      %eq3A_232 = arith.cmpf oeq, %select_n3A_160, %broadcast_in_dim3A_229 : vector<16xf32>
      %select_n3A_233 = arith.select %eq3A_232, %scan3A_19#5, %broadcast_in_dim3A_5 : vector<16xi1>, vector<16xi32>
      %min3A_234 = arith.minsi %select_n3A_231, %select_n3A_233 : vector<16xi32>
      %eq3A_235 = arith.cmpf oeq, %select_n3A_162, %broadcast_in_dim3A_229 : vector<16xf32>
      %select_n3A_236 = arith.select %eq3A_235, %scan3A_19#6, %broadcast_in_dim3A_5 : vector<16xi1>, vector<16xi32>
      %min3A_237 = arith.minsi %min3A_234, %select_n3A_236 : vector<16xi32>
      %eq3A_238 = arith.cmpf oeq, %select_n3A_164, %broadcast_in_dim3A_229 : vector<16xf32>
      %select_n3A_239 = arith.select %eq3A_238, %scan3A_19#7, %broadcast_in_dim3A_5 : vector<16xi1>, vector<16xi32>
      %min3A_240 = arith.minsi %min3A_237, %select_n3A_239 : vector<16xi32>
      %eq3A_241 = arith.cmpf oeq, %select_n3A_166, %broadcast_in_dim3A_229 : vector<16xf32>
      %select_n3A_242 = arith.select %eq3A_241, %scan3A_19#12, %broadcast_in_dim3A_5 : vector<16xi1>, vector<16xi32>
      %min3A_243 = arith.minsi %min3A_240, %select_n3A_242 : vector<16xi32>
      %eq3A_244 = arith.cmpf oeq, %select_n3A_168, %broadcast_in_dim3A_229 : vector<16xf32>
      %select_n3A_245 = arith.select %eq3A_244, %scan3A_19#13, %broadcast_in_dim3A_5 : vector<16xi1>, vector<16xi32>
      %min3A_246 = arith.minsi %min3A_243, %select_n3A_245 : vector<16xi32>
      %eq3A_247 = arith.cmpf oeq, %select_n3A_170, %broadcast_in_dim3A_229 : vector<16xf32>
      %select_n3A_248 = arith.select %eq3A_247, %scan3A_19#14, %broadcast_in_dim3A_5 : vector<16xi1>, vector<16xi32>
      %min3A_249 = arith.minsi %min3A_246, %select_n3A_248 : vector<16xi32>
      %eq3A_250 = arith.cmpf oeq, %select_n3A_172, %broadcast_in_dim3A_229 : vector<16xf32>
      %select_n3A_251 = arith.select %eq3A_250, %scan3A_19#15, %broadcast_in_dim3A_5 : vector<16xi1>, vector<16xi32>
      %min3A_252 = arith.minsi %min3A_249, %select_n3A_251 : vector<16xi32>
      %reduce_min3A_253 = arith.constant true
      %reduce_min3A_254 = vector.broadcast %reduce_min3A_253 : i1 to vector<16xi1>
      %reduce_min3A_255 = arith.constant -2147483648 : i32
      %reduce_min3A_256 = vector.broadcast %reduce_min3A_255 : i32 to vector<16xi32>
      %reduce_min3A_257 = arith.xori %min3A_252, %reduce_min3A_256 : vector<16xi32>
      %reduce_min3A_258 = tpu.scan <min>, %reduce_min3A_257 masked %reduce_min3A_254 : vector<16xi32>, vector<16xi1> -> vector<16xi32>
      %reduce_min3A_259 = arith.xori %reduce_min3A_258, %reduce_min3A_256 : vector<16xi32>
      %reduce_min3A_260 = vector.extract %reduce_min3A_259[15] : i32 from vector<16xi32>
      %broadcast_in_dim3A_261 = vector.broadcast %reduce_min3A_260 : i32 to vector<16xi32>
      %eq3A_262 = arith.cmpi eq, %scan3A_19#4, %broadcast_in_dim3A_261 : vector<16xi32>
      %select_n3A_263 = arith.select %eq3A_262, %broadcast_in_dim3A_3, %select_n3A_158 : vector<16xi1>, vector<16xf32>
      %eq3A_264 = arith.cmpi eq, %scan3A_19#5, %broadcast_in_dim3A_261 : vector<16xi32>
      %select_n3A_265 = arith.select %eq3A_264, %broadcast_in_dim3A_3, %select_n3A_160 : vector<16xi1>, vector<16xf32>
      %eq3A_266 = arith.cmpi eq, %scan3A_19#6, %broadcast_in_dim3A_261 : vector<16xi32>
      %select_n3A_267 = arith.select %eq3A_266, %broadcast_in_dim3A_3, %select_n3A_162 : vector<16xi1>, vector<16xf32>
      %eq3A_268 = arith.cmpi eq, %scan3A_19#7, %broadcast_in_dim3A_261 : vector<16xi32>
      %select_n3A_269 = arith.select %eq3A_268, %broadcast_in_dim3A_3, %select_n3A_164 : vector<16xi1>, vector<16xf32>
      %eq3A_270 = arith.cmpi eq, %scan3A_19#12, %broadcast_in_dim3A_261 : vector<16xi32>
      %select_n3A_271 = arith.select %eq3A_270, %broadcast_in_dim3A_3, %select_n3A_166 : vector<16xi1>, vector<16xf32>
      %eq3A_272 = arith.cmpi eq, %scan3A_19#13, %broadcast_in_dim3A_261 : vector<16xi32>
      %select_n3A_273 = arith.select %eq3A_272, %broadcast_in_dim3A_3, %select_n3A_168 : vector<16xi1>, vector<16xf32>
      %eq3A_274 = arith.cmpi eq, %scan3A_19#14, %broadcast_in_dim3A_261 : vector<16xi32>
      %select_n3A_275 = arith.select %eq3A_274, %broadcast_in_dim3A_3, %select_n3A_170 : vector<16xi1>, vector<16xf32>
      %eq3A_276 = arith.cmpi eq, %scan3A_19#15, %broadcast_in_dim3A_261 : vector<16xi32>
      %select_n3A_277 = arith.select %eq3A_276, %broadcast_in_dim3A_3, %select_n3A_172 : vector<16xi1>, vector<16xf32>
      %max3A_278 = arith.constant 1 : i32
      %max3A_279 = arith.maxsi %reduce_min3A_260, %max3A_278 : i32
      %min3A_280 = arith.constant 127 : i32
      %min3A_281 = arith.minsi %max3A_279, %min3A_280 : i32
      %broadcast_in_dim3A_282 = vector.broadcast %min3A_281 : i32 to vector<16xi32>
      %eq3A_283 = arith.constant 1 : i32
      %eq3A_284 = vector.broadcast %eq3A_283 : i32 to vector<16xi32>
      %eq3A_285 = arith.cmpi eq, %iota3A, %eq3A_284 : vector<16xi32>
      %jit3A_286 = arith.constant 128 : i32
      %jit3A_287 = arith.constant 0 : i32
      %broadcast_in_dim3A_288 = vector.broadcast %jit3A_286 : i32 to vector<16xi32>
      %broadcast_in_dim3A_289 = vector.broadcast %jit3A_287 : i32 to vector<16xi32>
      %select_n3A_290 = arith.select %eq3A_285, %broadcast_in_dim3A_288, %broadcast_in_dim3A_289 : vector<16xi1>, vector<16xi32>
      %add3A_291 = arith.addi %broadcast_in_dim3A_282, %select_n3A_290 : vector<16xi32>
      %gather3A_292 = tpu.vector_load_idx %arg8[%add3A_291] : memref<256xf32, #tpu.memory_space<vmem>>[vector<16xi32>], vector<16xf32>,
      %slice3A_293 = vector.extract_strided_slice %gather3A_292 {offsets = [0], sizes = [1], strides = [1]} : vector<16xf32> to vector<1xf32>
      %squeeze3A_294 = vector.extract %slice3A_293[0] : f32 from vector<1xf32>
      %convert_element_type3A_295 = arith.fptosi %squeeze3A_294 : f32 to i32
      %slice3A_296 = vector.extract_strided_slice %gather3A_292 {offsets = [1], sizes = [1], strides = [1]} : vector<16xf32> to vector<1xf32>
      %squeeze3A_297 = vector.extract %slice3A_296[0] : f32 from vector<1xf32>
      %broadcast_in_dim3A_298 = vector.broadcast %squeeze3A_297 : f32 to vector<16xf32>
      %mul3A_299 = arith.constant 2176 : i32
      %mul3A_300 = arith.muli %add3A_12, %mul3A_299 : i32
      %add3A_301 = arith.addi %mul3A_300, %convert_element_type3A_295 : i32
      %multiple_of3A_302 = tpu.assume_multiple %add3A_301, 8 : i32
      "tpu.region"() ({
        %run_scoped3A = tpu.sem_alloc : memref<!tpu.dma_semaphore, #tpu.memory_space<semaphore_mem>>
        %dma_start3A = arith.constant 128 : i32
        %dma_start3A_431 = tpu.memref_slice %arg7[%dma_start3A] : memref<256xf32, #tpu.memory_space<vmem>> -> memref<64xf32, #tpu.memory_space<vmem>>
        %dma_start3A_432 = tpu.memref_slice %arg3[%multiple_of3A_302] : memref<2228224xf32, #tpu.memory_space<hbm>> -> memref<64xf32, #tpu.memory_space<hbm>>
        %dma_start3A_433 = arith.constant 128 : i32
        %dma_start3A_434 = tpu.memref_slice %arg7[%dma_start3A_433] : memref<256xf32, #tpu.memory_space<vmem>> -> memref<64xf32, #tpu.memory_space<vmem>>
        %dma_start3A_435 = tpu.memref_slice %arg3[%multiple_of3A_302] : memref<2228224xf32, #tpu.memory_space<hbm>> -> memref<64xf32, #tpu.memory_space<hbm>>
        tpu.enqueue_dma source(%dma_start3A_435 : memref<64xf32, #tpu.memory_space<hbm>>) target(%dma_start3A_434 : memref<64xf32, #tpu.memory_space<vmem>>) target_semaphore(%run_scoped3A : memref<!tpu.dma_semaphore, #tpu.memory_space<semaphore_mem>>)
        %dma_wait3A = arith.constant 128 : i32
        %dma_wait3A_436 = tpu.memref_slice %arg7[%dma_wait3A] : memref<256xf32, #tpu.memory_space<vmem>> -> memref<64xf32, #tpu.memory_space<vmem>>
        %dma_wait3A_437 = tpu.memref_slice %arg3[%multiple_of3A_302] : memref<2228224xf32, #tpu.memory_space<hbm>> -> memref<64xf32, #tpu.memory_space<hbm>>
        %dma_wait3A_438 = arith.constant 128 : i32
        %dma_wait3A_439 = tpu.memref_slice %arg7[%dma_wait3A_438] : memref<256xf32, #tpu.memory_space<vmem>> -> memref<64xf32, #tpu.memory_space<vmem>>
        %dma_wait3A_440 = tpu.memref_slice %arg3[%multiple_of3A_302] : memref<2228224xf32, #tpu.memory_space<hbm>> -> memref<64xf32, #tpu.memory_space<hbm>>
        tpu.wait_dma2 semaphore(%run_scoped3A : memref<!tpu.dma_semaphore, #tpu.memory_space<semaphore_mem>>) src(%dma_wait3A_440 : memref<64xf32, #tpu.memory_space<hbm>>) dst(%dma_wait3A_439 : memref<64xf32, #tpu.memory_space<vmem>>)
        tpu.yield
      }) : () -> ()
      %get3A_303 = arith.constant 128 : index
      %get3A_304 = tpu.vector_load %arg7[%get3A_303] {strides = array<i32>} : memref<256xf32, #tpu.memory_space<vmem>>, vector<16xf32>,
      %mul3A_305 = arith.mulf %get3A_304, %broadcast_in_dim3A_298 : vector<16xf32>
      %swap3A_306 = arith.constant 128 : index
      %swap3A_307 = tpu.vector_load %arg7[%swap3A_306] {strides = array<i32>} : memref<256xf32, #tpu.memory_space<vmem>>, vector<16xf32>,
      tpu.vector_store %arg7[%swap3A_306], %mul3A_305 {strides = array<i32>} : memref<256xf32, #tpu.memory_space<vmem>>, vector<16xf32>,
      %get3A_308 = arith.constant 144 : index
      %get3A_309 = tpu.vector_load %arg7[%get3A_308] {strides = array<i32>} : memref<256xf32, #tpu.memory_space<vmem>>, vector<16xf32>,
      %mul3A_310 = arith.mulf %get3A_309, %broadcast_in_dim3A_298 : vector<16xf32>
      %swap3A_311 = arith.constant 144 : index
      %swap3A_312 = tpu.vector_load %arg7[%swap3A_311] {strides = array<i32>} : memref<256xf32, #tpu.memory_space<vmem>>, vector<16xf32>,
      tpu.vector_store %arg7[%swap3A_311], %mul3A_310 {strides = array<i32>} : memref<256xf32, #tpu.memory_space<vmem>>, vector<16xf32>,
      %get3A_313 = arith.constant 160 : index
      %get3A_314 = tpu.vector_load %arg7[%get3A_313] {strides = array<i32>} : memref<256xf32, #tpu.memory_space<vmem>>, vector<16xf32>,
      %mul3A_315 = arith.mulf %get3A_314, %broadcast_in_dim3A_298 : vector<16xf32>
      %swap3A_316 = arith.constant 160 : index
      %swap3A_317 = tpu.vector_load %arg7[%swap3A_316] {strides = array<i32>} : memref<256xf32, #tpu.memory_space<vmem>>, vector<16xf32>,
      tpu.vector_store %arg7[%swap3A_316], %mul3A_315 {strides = array<i32>} : memref<256xf32, #tpu.memory_space<vmem>>, vector<16xf32>,
      %get3A_318 = arith.constant 176 : index
      %get3A_319 = tpu.vector_load %arg7[%get3A_318] {strides = array<i32>} : memref<256xf32, #tpu.memory_space<vmem>>, vector<16xf32>,
      %mul3A_320 = arith.mulf %get3A_319, %broadcast_in_dim3A_298 : vector<16xf32>
      %swap3A_321 = arith.constant 176 : index
      %swap3A_322 = tpu.vector_load %arg7[%swap3A_321] {strides = array<i32>} : memref<256xf32, #tpu.memory_space<vmem>>, vector<16xf32>,
      tpu.vector_store %arg7[%swap3A_321], %mul3A_320 {strides = array<i32>} : memref<256xf32, #tpu.memory_space<vmem>>, vector<16xf32>,
      %max3A_323 = arith.maximumf %select_n3A_263, %select_n3A_265 : vector<16xf32>
      %max3A_324 = arith.maximumf %max3A_323, %select_n3A_267 : vector<16xf32>
      %max3A_325 = arith.maximumf %max3A_324, %select_n3A_269 : vector<16xf32>
      %max3A_326 = arith.maximumf %max3A_325, %select_n3A_271 : vector<16xf32>
      %max3A_327 = arith.maximumf %max3A_326, %select_n3A_273 : vector<16xf32>
      %max3A_328 = arith.maximumf %max3A_327, %select_n3A_275 : vector<16xf32>
      %max3A_329 = arith.maximumf %max3A_328, %select_n3A_277 : vector<16xf32>
      %reduce_max3A_330 = arith.constant true
      %reduce_max3A_331 = vector.broadcast %reduce_max3A_330 : i1 to vector<16xi1>
      %reduce_max3A_332 = tpu.scan <max>, %max3A_329 masked %reduce_max3A_331 : vector<16xf32>, vector<16xi1> -> vector<16xf32>
      %reduce_max3A_333 = vector.extract %reduce_max3A_332[15] : f32 from vector<16xf32>
      %broadcast_in_dim3A_334 = vector.broadcast %reduce_max3A_333 : f32 to vector<16xf32>
      %eq3A_335 = arith.cmpf oeq, %select_n3A_263, %broadcast_in_dim3A_334 : vector<16xf32>
      %select_n3A_336 = arith.select %eq3A_335, %scan3A_19#4, %broadcast_in_dim3A_5 : vector<16xi1>, vector<16xi32>
      %eq3A_337 = arith.cmpf oeq, %select_n3A_265, %broadcast_in_dim3A_334 : vector<16xf32>
      %select_n3A_338 = arith.select %eq3A_337, %scan3A_19#5, %broadcast_in_dim3A_5 : vector<16xi1>, vector<16xi32>
      %min3A_339 = arith.minsi %select_n3A_336, %select_n3A_338 : vector<16xi32>
      %eq3A_340 = arith.cmpf oeq, %select_n3A_267, %broadcast_in_dim3A_334 : vector<16xf32>
      %select_n3A_341 = arith.select %eq3A_340, %scan3A_19#6, %broadcast_in_dim3A_5 : vector<16xi1>, vector<16xi32>
      %min3A_342 = arith.minsi %min3A_339, %select_n3A_341 : vector<16xi32>
      %eq3A_343 = arith.cmpf oeq, %select_n3A_269, %broadcast_in_dim3A_334 : vector<16xf32>
      %select_n3A_344 = arith.select %eq3A_343, %scan3A_19#7, %broadcast_in_dim3A_5 : vector<16xi1>, vector<16xi32>
      %min3A_345 = arith.minsi %min3A_342, %select_n3A_344 : vector<16xi32>
      %eq3A_346 = arith.cmpf oeq, %select_n3A_271, %broadcast_in_dim3A_334 : vector<16xf32>
      %select_n3A_347 = arith.select %eq3A_346, %scan3A_19#12, %broadcast_in_dim3A_5 : vector<16xi1>, vector<16xi32>
      %min3A_348 = arith.minsi %min3A_345, %select_n3A_347 : vector<16xi32>
      %eq3A_349 = arith.cmpf oeq, %select_n3A_273, %broadcast_in_dim3A_334 : vector<16xf32>
      %select_n3A_350 = arith.select %eq3A_349, %scan3A_19#13, %broadcast_in_dim3A_5 : vector<16xi1>, vector<16xi32>
      %min3A_351 = arith.minsi %min3A_348, %select_n3A_350 : vector<16xi32>
      %eq3A_352 = arith.cmpf oeq, %select_n3A_275, %broadcast_in_dim3A_334 : vector<16xf32>
      %select_n3A_353 = arith.select %eq3A_352, %scan3A_19#14, %broadcast_in_dim3A_5 : vector<16xi1>, vector<16xi32>
      %min3A_354 = arith.minsi %min3A_351, %select_n3A_353 : vector<16xi32>
      %eq3A_355 = arith.cmpf oeq, %select_n3A_277, %broadcast_in_dim3A_334 : vector<16xf32>
      %select_n3A_356 = arith.select %eq3A_355, %scan3A_19#15, %broadcast_in_dim3A_5 : vector<16xi1>, vector<16xi32>
      %min3A_357 = arith.minsi %min3A_354, %select_n3A_356 : vector<16xi32>
      %reduce_min3A_358 = arith.constant true
      %reduce_min3A_359 = vector.broadcast %reduce_min3A_358 : i1 to vector<16xi1>
      %reduce_min3A_360 = arith.constant -2147483648 : i32
      %reduce_min3A_361 = vector.broadcast %reduce_min3A_360 : i32 to vector<16xi32>
      %reduce_min3A_362 = arith.xori %min3A_357, %reduce_min3A_361 : vector<16xi32>
      %reduce_min3A_363 = tpu.scan <min>, %reduce_min3A_362 masked %reduce_min3A_359 : vector<16xi32>, vector<16xi1> -> vector<16xi32>
      %reduce_min3A_364 = arith.xori %reduce_min3A_363, %reduce_min3A_361 : vector<16xi32>
      %reduce_min3A_365 = vector.extract %reduce_min3A_364[15] : i32 from vector<16xi32>
      %broadcast_in_dim3A_366 = vector.broadcast %reduce_min3A_365 : i32 to vector<16xi32>
      %eq3A_367 = arith.cmpi eq, %scan3A_19#4, %broadcast_in_dim3A_366 : vector<16xi32>
      %select_n3A_368 = arith.select %eq3A_367, %broadcast_in_dim3A_3, %select_n3A_263 : vector<16xi1>, vector<16xf32>
      %eq3A_369 = arith.cmpi eq, %scan3A_19#5, %broadcast_in_dim3A_366 : vector<16xi32>
      %select_n3A_370 = arith.select %eq3A_369, %broadcast_in_dim3A_3, %select_n3A_265 : vector<16xi1>, vector<16xf32>
      %eq3A_371 = arith.cmpi eq, %scan3A_19#6, %broadcast_in_dim3A_366 : vector<16xi32>
      %select_n3A_372 = arith.select %eq3A_371, %broadcast_in_dim3A_3, %select_n3A_267 : vector<16xi1>, vector<16xf32>
      %eq3A_373 = arith.cmpi eq, %scan3A_19#7, %broadcast_in_dim3A_366 : vector<16xi32>
      %select_n3A_374 = arith.select %eq3A_373, %broadcast_in_dim3A_3, %select_n3A_269 : vector<16xi1>, vector<16xf32>
      %eq3A_375 = arith.cmpi eq, %scan3A_19#12, %broadcast_in_dim3A_366 : vector<16xi32>
      %select_n3A_376 = arith.select %eq3A_375, %broadcast_in_dim3A_3, %select_n3A_271 : vector<16xi1>, vector<16xf32>
      %eq3A_377 = arith.cmpi eq, %scan3A_19#13, %broadcast_in_dim3A_366 : vector<16xi32>
      %select_n3A_378 = arith.select %eq3A_377, %broadcast_in_dim3A_3, %select_n3A_273 : vector<16xi1>, vector<16xf32>
      %eq3A_379 = arith.cmpi eq, %scan3A_19#14, %broadcast_in_dim3A_366 : vector<16xi32>
      %select_n3A_380 = arith.select %eq3A_379, %broadcast_in_dim3A_3, %select_n3A_275 : vector<16xi1>, vector<16xf32>
      %eq3A_381 = arith.cmpi eq, %scan3A_19#15, %broadcast_in_dim3A_366 : vector<16xi32>
      %select_n3A_382 = arith.select %eq3A_381, %broadcast_in_dim3A_3, %select_n3A_277 : vector<16xi1>, vector<16xf32>
      %max3A_383 = arith.constant 1 : i32
      %max3A_384 = arith.maxsi %reduce_min3A_365, %max3A_383 : i32
      %min3A_385 = arith.constant 127 : i32
      %min3A_386 = arith.minsi %max3A_384, %min3A_385 : i32
      %broadcast_in_dim3A_387 = vector.broadcast %min3A_386 : i32 to vector<16xi32>
      %eq3A_388 = arith.constant 1 : i32
      %eq3A_389 = vector.broadcast %eq3A_388 : i32 to vector<16xi32>
      %eq3A_390 = arith.cmpi eq, %iota3A, %eq3A_389 : vector<16xi32>
      %jit3A_391 = arith.constant 128 : i32
      %jit3A_392 = arith.constant 0 : i32
      %broadcast_in_dim3A_393 = vector.broadcast %jit3A_391 : i32 to vector<16xi32>
      %broadcast_in_dim3A_394 = vector.broadcast %jit3A_392 : i32 to vector<16xi32>
      %select_n3A_395 = arith.select %eq3A_390, %broadcast_in_dim3A_393, %broadcast_in_dim3A_394 : vector<16xi1>, vector<16xi32>
      %add3A_396 = arith.addi %broadcast_in_dim3A_387, %select_n3A_395 : vector<16xi32>
      %gather3A_397 = tpu.vector_load_idx %arg8[%add3A_396] : memref<256xf32, #tpu.memory_space<vmem>>[vector<16xi32>], vector<16xf32>,
      %slice3A_398 = vector.extract_strided_slice %gather3A_397 {offsets = [0], sizes = [1], strides = [1]} : vector<16xf32> to vector<1xf32>
      %squeeze3A_399 = vector.extract %slice3A_398[0] : f32 from vector<1xf32>
      %convert_element_type3A_400 = arith.fptosi %squeeze3A_399 : f32 to i32
      %slice3A_401 = vector.extract_strided_slice %gather3A_397 {offsets = [1], sizes = [1], strides = [1]} : vector<16xf32> to vector<1xf32>
      %squeeze3A_402 = vector.extract %slice3A_401[0] : f32 from vector<1xf32>
      %broadcast_in_dim3A_403 = vector.broadcast %squeeze3A_402 : f32 to vector<16xf32>
      %mul3A_404 = arith.constant 2176 : i32
      %mul3A_405 = arith.muli %add3A_12, %mul3A_404 : i32
      %add3A_406 = arith.addi %mul3A_405, %convert_element_type3A_400 : i32
      %multiple_of3A_407 = tpu.assume_multiple %add3A_406, 8 : i32
      "tpu.region"() ({
        %run_scoped3A = tpu.sem_alloc : memref<!tpu.dma_semaphore, #tpu.memory_space<semaphore_mem>>
        %dma_start3A = arith.constant 192 : i32
        %dma_start3A_431 = tpu.memref_slice %arg7[%dma_start3A] : memref<256xf32, #tpu.memory_space<vmem>> -> memref<64xf32, #tpu.memory_space<vmem>>
        %dma_start3A_432 = tpu.memref_slice %arg3[%multiple_of3A_407] : memref<2228224xf32, #tpu.memory_space<hbm>> -> memref<64xf32, #tpu.memory_space<hbm>>
        %dma_start3A_433 = arith.constant 192 : i32
        %dma_start3A_434 = tpu.memref_slice %arg7[%dma_start3A_433] : memref<256xf32, #tpu.memory_space<vmem>> -> memref<64xf32, #tpu.memory_space<vmem>>
        %dma_start3A_435 = tpu.memref_slice %arg3[%multiple_of3A_407] : memref<2228224xf32, #tpu.memory_space<hbm>> -> memref<64xf32, #tpu.memory_space<hbm>>
        tpu.enqueue_dma source(%dma_start3A_435 : memref<64xf32, #tpu.memory_space<hbm>>) target(%dma_start3A_434 : memref<64xf32, #tpu.memory_space<vmem>>) target_semaphore(%run_scoped3A : memref<!tpu.dma_semaphore, #tpu.memory_space<semaphore_mem>>)
        %dma_wait3A = arith.constant 192 : i32
        %dma_wait3A_436 = tpu.memref_slice %arg7[%dma_wait3A] : memref<256xf32, #tpu.memory_space<vmem>> -> memref<64xf32, #tpu.memory_space<vmem>>
        %dma_wait3A_437 = tpu.memref_slice %arg3[%multiple_of3A_407] : memref<2228224xf32, #tpu.memory_space<hbm>> -> memref<64xf32, #tpu.memory_space<hbm>>
        %dma_wait3A_438 = arith.constant 192 : i32
        %dma_wait3A_439 = tpu.memref_slice %arg7[%dma_wait3A_438] : memref<256xf32, #tpu.memory_space<vmem>> -> memref<64xf32, #tpu.memory_space<vmem>>
        %dma_wait3A_440 = tpu.memref_slice %arg3[%multiple_of3A_407] : memref<2228224xf32, #tpu.memory_space<hbm>> -> memref<64xf32, #tpu.memory_space<hbm>>
        tpu.wait_dma2 semaphore(%run_scoped3A : memref<!tpu.dma_semaphore, #tpu.memory_space<semaphore_mem>>) src(%dma_wait3A_440 : memref<64xf32, #tpu.memory_space<hbm>>) dst(%dma_wait3A_439 : memref<64xf32, #tpu.memory_space<vmem>>)
        tpu.yield
      }) : () -> ()
      %get3A_408 = arith.constant 192 : index
      %get3A_409 = tpu.vector_load %arg7[%get3A_408] {strides = array<i32>} : memref<256xf32, #tpu.memory_space<vmem>>, vector<16xf32>,
      %mul3A_410 = arith.mulf %get3A_409, %broadcast_in_dim3A_403 : vector<16xf32>
      %swap3A_411 = arith.constant 192 : index
      %swap3A_412 = tpu.vector_load %arg7[%swap3A_411] {strides = array<i32>} : memref<256xf32, #tpu.memory_space<vmem>>, vector<16xf32>,
      tpu.vector_store %arg7[%swap3A_411], %mul3A_410 {strides = array<i32>} : memref<256xf32, #tpu.memory_space<vmem>>, vector<16xf32>,
      %get3A_413 = arith.constant 208 : index
      %get3A_414 = tpu.vector_load %arg7[%get3A_413] {strides = array<i32>} : memref<256xf32, #tpu.memory_space<vmem>>, vector<16xf32>,
      %mul3A_415 = arith.mulf %get3A_414, %broadcast_in_dim3A_403 : vector<16xf32>
      %swap3A_416 = arith.constant 208 : index
      %swap3A_417 = tpu.vector_load %arg7[%swap3A_416] {strides = array<i32>} : memref<256xf32, #tpu.memory_space<vmem>>, vector<16xf32>,
      tpu.vector_store %arg7[%swap3A_416], %mul3A_415 {strides = array<i32>} : memref<256xf32, #tpu.memory_space<vmem>>, vector<16xf32>,
      %get3A_418 = arith.constant 224 : index
      %get3A_419 = tpu.vector_load %arg7[%get3A_418] {strides = array<i32>} : memref<256xf32, #tpu.memory_space<vmem>>, vector<16xf32>,
      %mul3A_420 = arith.mulf %get3A_419, %broadcast_in_dim3A_403 : vector<16xf32>
      %swap3A_421 = arith.constant 224 : index
      %swap3A_422 = tpu.vector_load %arg7[%swap3A_421] {strides = array<i32>} : memref<256xf32, #tpu.memory_space<vmem>>, vector<16xf32>,
      tpu.vector_store %arg7[%swap3A_421], %mul3A_420 {strides = array<i32>} : memref<256xf32, #tpu.memory_space<vmem>>, vector<16xf32>,
      %get3A_423 = arith.constant 240 : index
      %get3A_424 = tpu.vector_load %arg7[%get3A_423] {strides = array<i32>} : memref<256xf32, #tpu.memory_space<vmem>>, vector<16xf32>,
      %mul3A_425 = arith.mulf %get3A_424, %broadcast_in_dim3A_403 : vector<16xf32>
      %swap3A_426 = arith.constant 240 : index
      %swap3A_427 = tpu.vector_load %arg7[%swap3A_426] {strides = array<i32>} : memref<256xf32, #tpu.memory_space<vmem>>, vector<16xf32>,
      tpu.vector_store %arg7[%swap3A_426], %mul3A_425 {strides = array<i32>} : memref<256xf32, #tpu.memory_space<vmem>>, vector<16xf32>,
      %mul3A_428 = arith.constant 256 : i32
      %mul3A_429 = arith.muli %add3A_12, %mul3A_428 : i32
      %multiple_of3A_430 = tpu.assume_multiple %mul3A_429, 8 : i32
      "tpu.region"() ({
        %run_scoped3A = tpu.sem_alloc : memref<!tpu.dma_semaphore, #tpu.memory_space<semaphore_mem>>
        %dma_start3A = tpu.memref_slice %arg5[%multiple_of3A_430] : memref<262144xf32, #tpu.memory_space<hbm>> -> memref<256xf32, #tpu.memory_space<hbm>>
        %dma_start3A_431 = tpu.memref_slice %arg5[%multiple_of3A_430] : memref<262144xf32, #tpu.memory_space<hbm>> -> memref<256xf32, #tpu.memory_space<hbm>>
        tpu.enqueue_dma source(%arg7 : memref<256xf32, #tpu.memory_space<vmem>>) target(%dma_start3A_431 : memref<256xf32, #tpu.memory_space<hbm>>) target_semaphore(%run_scoped3A : memref<!tpu.dma_semaphore, #tpu.memory_space<semaphore_mem>>)
        %dma_wait3A = tpu.memref_slice %arg5[%multiple_of3A_430] : memref<262144xf32, #tpu.memory_space<hbm>> -> memref<256xf32, #tpu.memory_space<hbm>>
        %dma_wait3A_432 = tpu.memref_slice %arg5[%multiple_of3A_430] : memref<262144xf32, #tpu.memory_space<hbm>> -> memref<256xf32, #tpu.memory_space<hbm>>
        tpu.wait_dma2 semaphore(%run_scoped3A : memref<!tpu.dma_semaphore, #tpu.memory_space<semaphore_mem>>) src(%arg7 : memref<256xf32, #tpu.memory_space<vmem>>) dst(%dma_wait3A_432 : memref<256xf32, #tpu.memory_space<hbm>>)
        tpu.yield
      }) : () -> ()
    }
    %scan3A_10 = arith.constant 32 : i32
    return
  }
}

module attributes {stable_mosaic.version = 14 : i64} {
  func.func @_fold_body(%arg0: i32, %arg1: memref<256x2048xf32, #tpu.memory_space<vmem>>, %arg2: memref<2048x2176xbf16, #tpu.memory_space<vmem>>, %arg3: memref<256x2176xf32, #tpu.memory_space<vmem>>) attributes {dimension_semantics = [#tpu.dimension_semantics<arbitrary>], iteration_bounds = array<i64: 4>, scalar_prefetch = 0 : i64, scratch_operands = 0 : i64, tpu.core_type = #tpu.core_type<tc>, window_params = [{transform_indices = @transform_0, window_bounds = array<i64: 256, 2048>}, {pipeline_mode = #tpu.pipeline_mode<synchronous>, transform_indices = @transform_1, window_bounds = array<i64: 2048, 2176>}, {transform_indices = @transform_2, window_bounds = array<i64: 256, 2176>}]} {
    %get3A = arith.constant 0 : index
    %get3A_0 = arith.constant 0 : index
    %get3A_1 = vector.load %arg1[%get3A, %get3A_0] : memref<256x2048xf32, #tpu.memory_space<vmem>>, vector<256x2048xf32>
    %convert_element_type3A = arith.truncf %get3A_1 : vector<256x2048xf32> to vector<256x2048xbf16>
    %convert_element_type3A_2 = arith.extf %convert_element_type3A : vector<256x2048xbf16> to vector<256x2048xf32>
    %sub3A = arith.subf %get3A_1, %convert_element_type3A_2 : vector<256x2048xf32>
    %convert_element_type3A_3 = arith.truncf %sub3A : vector<256x2048xf32> to vector<256x2048xbf16>
    %get3A_4 = arith.constant 0 : index
    %get3A_5 = arith.constant 0 : index
    %get3A_6 = vector.load %arg2[%get3A_4, %get3A_5] : memref<2048x2176xbf16, #tpu.memory_space<vmem>>, vector<2048x2176xbf16>
    %dot_general3A = arith.constant dense<0.000000e+00> : vector<256x2176xf32>
    %dot_general3A_7 = tpu.matmul %convert_element_type3A, %get3A_6, %dot_general3A {dimension_numbers = #tpu.dot_dimension_numbers<[1], [0], [0], [1], [0, 0, 1, 1], [], []>, transpose_lhs_hint = false} : vector<256x2048xbf16>, vector<2048x2176xbf16>, vector<256x2176xf32> -> vector<256x2176xf32>
    %get3A_8 = arith.constant 0 : index
    %get3A_9 = arith.constant 0 : index
    %get3A_10 = vector.load %arg2[%get3A_8, %get3A_9] : memref<2048x2176xbf16, #tpu.memory_space<vmem>>, vector<2048x2176xbf16>
    %dot_general3A_11 = arith.constant dense<0.000000e+00> : vector<256x2176xf32>
    %dot_general3A_12 = tpu.matmul %convert_element_type3A_3, %get3A_10, %dot_general3A_11 {dimension_numbers = #tpu.dot_dimension_numbers<[1], [0], [0], [1], [0, 0, 1, 1], [], []>, transpose_lhs_hint = false} : vector<256x2048xbf16>, vector<2048x2176xbf16>, vector<256x2176xf32> -> vector<256x2176xf32>
    %add3A = arith.addf %dot_general3A_7, %dot_general3A_12 : vector<256x2176xf32>
    %swap3A = arith.constant 0 : index
    %swap3A_13 = arith.constant 0 : index
    %swap3A_14 = vector.load %arg3[%swap3A, %swap3A_13] : memref<256x2176xf32, #tpu.memory_space<vmem>>, vector<256x2176xf32>
    tpu.vector_store %arg3[%swap3A, %swap3A_13], %add3A {strides = array<i32>} : memref<256x2176xf32, #tpu.memory_space<vmem>>, vector<256x2176xf32>,
    return
  }
  func.func @transform_0(%arg0: i32) -> (i32, i32) {
    %c0_i32 = arith.constant 0 : i32
    %c0_i32_0 = arith.constant 0 : i32
    return %arg0, %c0_i32 : i32, i32
  }
  func.func @transform_1(%arg0: i32) -> (i32, i32) {
    %c0_i32 = arith.constant 0 : i32
    %c0_i32_0 = arith.constant 0 : i32
    %c0_i32_1 = arith.constant 0 : i32
    return %c0_i32, %c0_i32_0 : i32, i32
  }
  func.func @transform_2(%arg0: i32) -> (i32, i32) {
    %c0_i32 = arith.constant 0 : i32
    %c0_i32_0 = arith.constant 0 : i32
    return %arg0, %c0_i32 : i32, i32
  }
}

module attributes {stable_mosaic.version = 14 : i64} {
  func.func @_dft_body(%arg0: i32, %arg1: memref<256x2048xf32, #tpu.memory_space<vmem>>, %arg2: memref<2048x1152xf32, #tpu.memory_space<vmem>>, %arg3: memref<2048x1152xf32, #tpu.memory_space<vmem>>, %arg4: memref<256x1152xf32, #tpu.memory_space<vmem>>) attributes {dimension_semantics = [#tpu.dimension_semantics<arbitrary>], iteration_bounds = array<i64: 4>, scalar_prefetch = 0 : i64, scratch_operands = 0 : i64, tpu.core_type = #tpu.core_type<tc>, window_params = [{transform_indices = @transform_0, window_bounds = array<i64: 256, 2048>}, {pipeline_mode = #tpu.pipeline_mode<synchronous>, transform_indices = @transform_1, window_bounds = array<i64: 2048, 1152>}, {pipeline_mode = #tpu.pipeline_mode<synchronous>, transform_indices = @transform_2, window_bounds = array<i64: 2048, 1152>}, {transform_indices = @transform_3, window_bounds = array<i64: 256, 1152>}]} {
    %get3A = arith.constant 0 : index
    %get3A_0 = arith.constant 0 : index
    %get3A_1 = vector.load %arg1[%get3A, %get3A_0] : memref<256x2048xf32, #tpu.memory_space<vmem>>, vector<256x2048xf32>
    %get3A_2 = arith.constant 0 : index
    %get3A_3 = arith.constant 0 : index
    %get3A_4 = vector.load %arg2[%get3A_2, %get3A_3] : memref<2048x1152xf32, #tpu.memory_space<vmem>>, vector<2048x1152xf32>
    %dot_general3A = arith.constant dense<0.000000e+00> : vector<256x1152xf32>
    %dot_general3A_5 = tpu.matmul %get3A_1, %get3A_4, %dot_general3A {dimension_numbers = #tpu.dot_dimension_numbers<[1], [0], [0], [1], [0, 0, 1, 1], [], []>, precision = #tpu.contract_precision<fp32>, transpose_lhs_hint = false} : vector<256x2048xf32>, vector<2048x1152xf32>, vector<256x1152xf32> -> vector<256x1152xf32>
    %get3A_6 = arith.constant 0 : index
    %get3A_7 = arith.constant 0 : index
    %get3A_8 = vector.load %arg1[%get3A_6, %get3A_7] : memref<256x2048xf32, #tpu.memory_space<vmem>>, vector<256x2048xf32>
    %get3A_9 = arith.constant 0 : index
    %get3A_10 = arith.constant 0 : index
    %get3A_11 = vector.load %arg3[%get3A_9, %get3A_10] : memref<2048x1152xf32, #tpu.memory_space<vmem>>, vector<2048x1152xf32>
    %dot_general3A_12 = arith.constant dense<0.000000e+00> : vector<256x1152xf32>
    %dot_general3A_13 = tpu.matmul %get3A_8, %get3A_11, %dot_general3A_12 {dimension_numbers = #tpu.dot_dimension_numbers<[1], [0], [0], [1], [0, 0, 1, 1], [], []>, precision = #tpu.contract_precision<fp32>, transpose_lhs_hint = false} : vector<256x2048xf32>, vector<2048x1152xf32>, vector<256x1152xf32> -> vector<256x1152xf32>
    %mul3A = arith.mulf %dot_general3A_5, %dot_general3A_5 : vector<256x1152xf32>
    %mul3A_14 = arith.mulf %dot_general3A_13, %dot_general3A_13 : vector<256x1152xf32>
    %add3A = arith.addf %mul3A, %mul3A_14 : vector<256x1152xf32>
    %swap3A = arith.constant 0 : index
    %swap3A_15 = arith.constant 0 : index
    %swap3A_16 = vector.load %arg4[%swap3A, %swap3A_15] : memref<256x1152xf32, #tpu.memory_space<vmem>>, vector<256x1152xf32>
    tpu.vector_store %arg4[%swap3A, %swap3A_15], %add3A {strides = array<i32>} : memref<256x1152xf32, #tpu.memory_space<vmem>>, vector<256x1152xf32>,
    return
  }
  func.func @transform_0(%arg0: i32) -> (i32, i32) {
    %c0_i32 = arith.constant 0 : i32
    %c0_i32_0 = arith.constant 0 : i32
    return %arg0, %c0_i32 : i32, i32
  }
  func.func @transform_1(%arg0: i32) -> (i32, i32) {
    %c0_i32 = arith.constant 0 : i32
    %c0_i32_0 = arith.constant 0 : i32
    %c0_i32_1 = arith.constant 0 : i32
    return %c0_i32, %c0_i32_0 : i32, i32
  }
  func.func @transform_2(%arg0: i32) -> (i32, i32) {
    %c0_i32 = arith.constant 0 : i32
    %c0_i32_0 = arith.constant 0 : i32
    %c0_i32_1 = arith.constant 0 : i32
    return %c0_i32, %c0_i32_0 : i32, i32
  }
  func.func @transform_3(%arg0: i32) -> (i32, i32) {
    %c0_i32 = arith.constant 0 : i32
    %c0_i32_0 = arith.constant 0 : i32
    return %arg0, %c0_i32 : i32, i32
  }
}

</mosaic_0001>

<sc_bundles>
// kernel: kernel.5.cloned.1.call-start
scs
__scs_entry_jumppad:
0x0: {  	(pc) =	sbr.rel $0x88, $3  }
0x1: {  	(tag) =	ssettag $0x0;
	lr =	simm.s32 $0x1  }
0x2: {  	[smem:$0x3FA0] =	sst lr;
	_ =	strace $0xD0000000  }
0x3: {  	_ = 	snop  }
0x4: {  	_ = 	snop  }
0x5: {  	_ = 	snop  }
0x6: {  	_ = 	snop  }
0x7: {  	_ = 	snop  }
__scs_overlays_trampoline_lowered:
0x8: {  	[smem:$0x3FAF] =	sst s0  }
0x9: {  	[smem:$0x3FB0] =	sst s1  }
0xa: {  	[smem:$0x3FB1] =	sst s2  }
0xb: {  	[smem:$0x3FB2] =	sst s3  }
0xc: {  	[smem:$0x3FB3] =	sst s4  }
0xd: {  	[smem:$0x3FB4] =	sst s5  }
0xe: {  	[smem:$0x3FB5] =	sst s6  }
0xf: {  	[smem:$0x3FB6] =	sst s7  }
0x10: {  	[smem:$0x3FB7] =	sst s8  }
0x11: {  	[smem:$0x3FB8] =	sst s9;
	s0 =	simm.s32 @!p0 $0x0  }
0x12: {  	s1 =	sld [smem:$0x3F9E];
	s0 =	simm.s32 @p0 $0x1  }
0x13: {  	[smem:$0x3FB9] =	sst s0;
	s0 =	simm.s32 @!p1 $0x0  }
0x14: {  	s2 =	sld [smem:$0x3F9D];
	s0 =	simm.s32 @p1 $0x1  }
0x15: {  	[smem:$0x3FBA] =	sst s0;
	s0 =	simm.s32 @!p2 $0x0  }
0x16: {  	s3 =	sld [smem:$0x3FDB];
	s0 =	simm.s32 @p2 $0x1  }
0x17: {  	s4 =	simm.s32 $0x1BF5;
	[smem:$0x3FBC] =	sst s0  }
0x18: {  	s0 =	sld [smem:$0x3F9F];
	_ =	swait.ge [sflag:s4], $0x0  }
0x19: {  	s7 =	sld [smem:$0x3FA0]  }
0x1a: {  	s8 =	sadd.s32 $0xFFFFE003, lr  }
0x1b: {  	s9 =	sadd.s32 $0xFFFFFEF7, lr;
	s5 =	simm.s32 $0xFFFFFFFF;
	p2 =	slt.u32 s8, $0xFFFFF086  }
0x1c: {  	p1 =	slt.u32 s9, $0xF7A;
	s5 =	simm.s32 @!p2 $0x0  }
0x1d: {  	s5 =	simm.s32 @p1 $0x1;
	p0 =	seq.s32 s7, s2  }
0x1e: {  	s7 =	smul.u32 @!p0 $0xF7A, s2;
	p2 =	seq.s32 @!p0 s5, $0x0  }
0x1f: {  	s9 =	smul.u32 $0xF7A, s1;
	s8 =	simm.s32 @!p0 $0x1BF5;
	p2 =	por !p2, p0  }
0x20: {  	[sflag:s8] =	ssyncset.s32 @!p0 $0xFFFFF086;
	s6 =	sadd.s32 @!p0 s3, s7;
	s7 =	simm.s32 @!p0 $0x108  }
0x21: {  	s3 =	sadd.s32 s3, s9;
	s6 =	sadd.s32 @!p0 $0x88, s6;
	s7 =	simm.s32 @p2 $0x1082  }
0x22: {  	[simem:s7], [sflag:s8] =	dma.local @!p0 [hbm:s6], $0xF7A  }
0x23: {  	s9 =	sor.u32 $0xD0000000, s2;
	s6 =	simm.s32 $0x108;
	_ =	swait.ge @!p0 [sflag:s8], $0x0  }
0x24: {  	s3 =	sadd.s32 $0x88, s3;
	s6 =	simm.s32 @!p1 $0x1082;
	[sflag:s4] =	ssyncset.s32 $0xFFFFF086  }
0x25: {  	[simem:s6], [sflag:s4] =	dma.local [hbm:s3], $0xF7A  }
0x26: {  	[smem:$0x3FA0] =	sst s1;
	(tag) =	ssettag s2;
	_ =	strace s9  }
0x27: {  	s1 =	sld [smem:$0x3FB0]  }
0x28: {  	s2 =	sld [smem:$0x3FB1]  }
0x29: {  	s4 =	sld [smem:$0x3FB3]  }
0x2a: {  	p0 =	seq.s32 s5, $0x0;
	s5 =	sld [smem:$0x3FB4]  }
0x2b: {  	s6 =	sld [smem:$0x3FB5]  }
0x2c: {  	s7 =	sld [smem:$0x3FB6]  }
0x2d: {  	s3 =	simm.s32 $0x108;
	s8 =	sld [smem:$0x3FB7]  }
0x2e: {  	s3 =	simm.s32 @!p0 $0x1082;
	s9 =	sld [smem:$0x3FB8]  }
0x2f: {  	lr =	sadd.s32 s0, s3;
	s0 =	sld [smem:$0x3FAF]  }
0x30: {  	s3 =	sld [smem:$0x3FB2]  }
0x31: {  	[smem:$0x3FBB] =	sst s10  }
0x32: {  	s10 =	sld [smem:$0x3FB9];
	_ =	sdelay $0x3  }
0x33: {  	p0 =	seq.s32 s10, $0x1;
	s10 =	sld [smem:$0x3FBB];
	_ =	sdelay $0x3  }
0x34: {  	[smem:$0x3FBB] =	sst s10  }
0x35: {  	s10 =	sld [smem:$0x3FBA];
	_ =	sdelay $0x3  }
0x36: {  	p1 =	seq.s32 s10, $0x1;
	s10 =	sld [smem:$0x3FBB];
	_ =	sdelay $0x3  }
0x37: {  	[smem:$0x3FBB] =	sst s10  }
0x38: {  	s10 =	sld [smem:$0x3FBC]  }
0x39: {  	_ = 	snop;
	(pc) =	sbr.ind lr, $3  }
0x3a: {  	_ = 	snop  }
0x3b: {  	_ = 	snop  }
0x3c: {  	p2 =	seq.s32 s10, $0x1;
	s10 =	sld [smem:$0x3FBB]  }
0x3d: {  	_ =	shalt  }
0x3e: {  	_ =	shalt  }
0x3f: {  	_ =	shalt  }
0x40: {  	_ =	shalt  }
0x41: {  	_ =	shalt  }
0x42: {  	_ =	shalt  }
0x43: {  	_ =	shalt  }
0x44: {  	_ =	shalt  }
0x45: {  	_ =	shalt  }
0x46: {  	_ =	shalt  }
0x47: {  	_ =	shalt  }
0x48: {  	_ =	shalt  }
0x49: {  	_ =	shalt  }
0x4a: {  	_ =	shalt  }
0x4b: {  	_ =	shalt  }
0x4c: {  	_ =	shalt  }
0x4d: {  	_ =	shalt  }
0x4e: {  	_ =	shalt  }
0x4f: {  	_ =	shalt  }
0x50: {  	_ =	shalt  }
0x51: {  	_ =	shalt  }
0x52: {  	_ =	shalt  }
0x53: {  	_ =	shalt  }
0x54: {  	_ =	shalt  }
0x55: {  	_ =	shalt  }
0x56: {  	_ =	shalt  }
0x57: {  	_ =	shalt  }
0x58: {  	_ =	shalt  }
0x59: {  	_ =	shalt  }
0x5a: {  	_ =	shalt  }
0x5b: {  	_ =	shalt  }
0x5c: {  	_ =	shalt  }
0x5d: {  	_ =	shalt  }
0x5e: {  	_ =	shalt  }
0x5f: {  	_ =	shalt  }
0x60: {  	_ =	shalt  }
0x61: {  	_ =	shalt  }
0x62: {  	_ =	shalt  }
0x63: {  	_ =	shalt  }
0x64: {  	_ =	shalt  }
0x65: {  	_ =	shalt  }
0x66: {  	_ =	shalt  }
0x67: {  	_ =	shalt  }
0x68: {  	_ =	shalt  }
0x69: {  	_ =	shalt  }
0x6a: {  	_ =	shalt  }
0x6b: {  	_ =	shalt  }
0x6c: {  	_ =	shalt  }
0x6d: {  	_ =	shalt  }
0x6e: {  	_ =	shalt  }
0x6f: {  	_ =	shalt  }
0x70: {  	_ =	shalt  }
0x71: {  	_ =	shalt  }
0x72: {  	_ =	shalt  }
0x73: {  	_ =	shalt  }
0x74: {  	_ =	shalt  }
0x75: {  	_ =	shalt  }
0x76: {  	_ =	shalt  }
0x77: {  	_ =	shalt  }
0x78: {  	_ =	shalt  }
0x79: {  	_ =	shalt  }
0x7a: {  	_ =	shalt  }
0x7b: {  	_ =	shalt  }
0x7c: {  	_ =	shalt  }
0x7d: {  	_ =	shalt  }
0x7e: {  	_ =	shalt  }
0x7f: {  	_ =	shalt  }
0x80: {  	_ =	shalt  }
0x81: {  	_ =	shalt  }
0x82: {  	_ =	shalt  }
0x83: {  	_ =	shalt  }
0x84: {  	_ =	shalt  }
0x85: {  	_ =	shalt  }
0x86: {  	_ =	shalt  }
0x87: {  	_ =	shalt  }
.Lfunc_end0:
.L_simem_size_0:
called_computation_lowered:
.L_overlay_start_0:
0x88: {  	s2 =	sld [smem:$0x3FD9]  }
0x89: {  	s3 =	sld [smem:$0x3FFE];
	_ =	sdelay $0x1  }
0x8a: {  	s1 =	srdreg.scid  }
0x8b: {  	s0 =	sand.u32 $0x1, s1  }
0x8c: {  	s17 =	sshll.u32 s0, $0xA;
	s2 =	sadd.s32 s3, s2  }
0x8d: {  	s2 =	sadd.s32 s2, s17  }
0x8e: {  	[smem:$0x3FC7] =	sst s2  }
0x8f: {  	_ = 	snop  }
0x90: {  	s2 =	sld [smem:$0x3FD0];
	(tm) =	ssettm $0x1  }
0x91: {  	s18 =	sld [smem:$0x3FFB];
	_ =	sdelay $0x3  }
0x92: {  	_ =	strace s18  }
0x93: {  	s3 =	sld [smem:$0x3FFC];
	_ =	sdelay $0x3  }
0x94: {  	_ =	strace s3  }
0x95: {  	s3 =	sld [smem:$0x3FFD];
	_ =	sdelay $0x3  }
0x96: {  	_ =	strace s3  }
0x97: {  	_ =	strace $0x8FFFFFFF  }
0x98: {  	s19 =	sld [smem:$0x3FDB];
	_ =	sdelay $0x1  }
0x99: {  	s4 =	simm.s32 $_scs_section_size  }
0x9a: {  	s5 =	simm.s32 $_size__tile_overlayer_lowered;
	s6 =	simm.s32 $_tile_overlayer_lowered  }
0x9b: {  	s22 =	simm.s32 $0x1BFF;
	s21 =	sshll.u32 s6, $0x1;
	s3 =	sadd.s32 s4, s19  }
0x9c: {  	s7 =	simm.s32 $0x0;
	s20 =	sshll.u32 s5, $0x1;
	s5 =	sadd.s32 s21, s3  }
0x9d: {  	[timem:s7], [sflag:s22] =	dma.local [hbm:s5], s20  }
0x9e: {  	_ =	swait.ge [sflag:s22], s20  }
0x9f: {  	s4 =	ssub.s32 $0x0, s20;
	[sflag:s22] =	ssyncset.done $0x0  }
0xa0: {  	[sflag:s22] =	ssyncadd.s32 s4;
	_ =	sdelay $0x1  }
0xa1: {  	s23 =	simm.s32 $0x1B8B  }
0xa2: {  	_ =	swait.ge [sflag:s23], $0x1  }
0xa3: {  	[sflag:s23] =	ssyncset.done $0x0  }
0xa4: {  	s25 =	simm.s32 $0x1B8E;
	s24 =	sld [smem:$0x3FFE];
	[sflag:s23] =	ssyncadd.s32 $0xFFFFFFFF  }
0xa5: {  	s26 =	simm.s32 $execute0_lowered;
	[smem:$0x3FD2] =	sst s25  }
0xa6: {  	s5 =	sshll.u32 s26, $0x1;
	_ =	strace $0x80000046;
	[dreg:$0x1] =	wrdreg $0xFFFFFFFF  }
0xa7: {  	s28 =	simm.s32 $_size_execute0_lowered;
	s3 =	sadd.s32 s3, s5;
	[dreg:$0x0] =	wrdreg $0x0  }
0xa8: {  	s5 =	sshll.u32 s28, $0x1;
	[dreg:$0x2] =	wrdreg s3  }
0xa9: {  	[dreg:$0x3] =	wrdreg s5  }
0xaa: {  	[dreg:$0x4] =	wrdreg $0xC0  }
0xab: {  	_ =	task [dreg:s7], $0x5FFFF  }
0xac: {  	[dreg:$0x1] =	wrdreg $0xFFFFFFFF  }
0xad: {  	[dreg:$0x0] =	wrdreg $0x60  }
0xae: {  	[dreg:$0x2] =	wrdreg s24  }
0xaf: {  	[dreg:$0x3] =	wrdreg s2  }
0xb0: {  	[dreg:$0x4] =	wrdreg $0x9  }
0xb1: {  	_ =	task.clear_ibuf [dreg:s7], $0x5FFFF;
	_ =	strace $0x90000046  }
0xb2: {  	s29 =	simm.s32 $0x9;
	_ =	strace $0x80000048  }
0xb3: {  	_ =	swait.ge [sflag:s29], $0x1  }
0xb4: {  	[sflag:s29] =	ssyncadd.s32 $0xFFFFFFFF  }
0xb5: {  	_ =	strace $0x90000048  }
0xb6: {  	_ =	sfence  }
0xb7: {  	s30 =	sld [smem:$0x0];
	_ =	sdelay $0x2  }
0xb8: {  	s31 =	sshll.u32 s1, $0xD;
	s1 =	sshrl.u32 s1, $0x2  }
0xb9: {  	s3 =	sand.u32 $0x4000, s31;
	s1 =	sadd.s32 s1, s30  }
0xba: {  	s0 =	sor.u32 s3, s0;
	s1 =	sshll.u32 s1, $0x11  }
0xbb: {  	s0 =	sor.u32 s1, s0  }
0xbc: {  	s0 =	sadd.s32 $0x8F2B, s0  }
0xbd: {  	[sflag:s0] =	ssyncadd.remote.s32 $0x1  }
0xbe: {  	_ =	sfence.sel $0xFFFF  }
0xbf: {  	[dreg:$0x0] =	wrdreg $0xFFFFFFFF;
	(pc) =	sbr.abs _section_cstart, $3  }
0xc0: {  	[dreg:$0x1] =	wrdreg $0xFFFFFFFF  }
0xc1: {  	_ =	task.clear_ibuf [dreg:s7], $0x2FFFF;
	_ =	strace $0x9FFFFFFF  }
0xc2: {  	(tm) =	ssettm $0x7FFFFFFF  }
0xc3: {  	_ =	shalt  }
tec
execute0_lowered:
.L_overlay_start_1:
0x0: {  	(tag) =	ssettag $0x1  }
0x1: {  	s3 =	rddreg [dreg:$0x0]  }
0x2: {  	s1 =	rddreg [dreg:$0x1]  }
0x3: {  	s0 =	rddreg [dreg:$0x2];
	s2 =	simm.s32 $0x0;
	s4 =	srdreg.scid  }
0x4: {  	s10 =	simm.s32 $0x1;
	s11 =	simm.s32 $0x480;
	s12 =	simm.s32 $0x4C0  }
0x5: {  	s13 =	simm.s32 $0x500;
	s14 =	simm.s32 $0x540;
	s15 =	simm.s32 $0x0  }
0x6: {  	[smem:$0x7FF] =	sst s2;
	s7 =	sand.u32 $0x1, s4;
	s4 =	sadd.s32 $0x44A00, s3  }
0x7: {  	s5 =	sadd.s32 $0xA00, s3;
	s6 =	sadd.s32 $0x68A00, s3;
	s8 =	ssub.s32 $0x2, s7  }
0x8: {  	s3 =	stileid.u32;
	_ =	strace $0x80000047;
	s9 =	sshrl.u32 s8, $0x1  }
0x9: {  	v1 =	vimm.s32 $0x0;
	vm0 =	vcmask $0x704;
	s31 =	sshll.u32 s3, $0x6;
	s7 =	sshll.u32 s7, $0x5;
	s8 =	ssub.s32 s8, s9  }
0xa: {  	v0 =	vlaneseq.u32;
	v1 =	vsel vm0, $0x80, v1;
	s7 =	sor.u32 s7, s31;
	s9 =	simm.s32 $0x580;
	s8 =	smax.u32 s8, $0x1  }
.LBB2_1:
0xb: {  	[tilespmem:s9], [sflag:$0x1] =	stream.linear.gather [hbm4b:s6+s2], $0x100, $0x38;
	[tilespmem:$0x680] =	vst v63  }
0xc: {  	_ =	swait.ge [sflag:s10], $0x100  }
0xd: {  	[sflag:s10] =	ssyncset.done $0x0  }
0xe: {  	s16 =	simm.s32 $0x0;
	[sflag:s10] =	ssyncadd.s32 $0xFFFFFF00  }
.LBB2_2:
0xf: {  	s17 =	sadd.s32 s7, s16  }
0x10: {  	s18 =	smul.u32 $0x90, s17;
	_ =	sdelay $0x1  }
0x11: {  	s19 =	sadd.s32 s4, s18;
	s18 =	simm.s32 $0x0  }
0x12: {  	[tilespmem:s18], [sflag:$0x1] =	stream.linear.gather [hbm4b:s19+s18], $0x480, $0x38;
	[tilespmem:$0x680] =	vst v63  }
0x13: {  	_ =	swait.ge [sflag:s10], $0x480  }
0x14: {  	[sflag:s10] =	ssyncset.done $0x0  }
0x15: {  	s26 =	simm.s32 $0x270;
	[sflag:s10] =	ssyncadd.s32 $0xFFFFFB80  }
0x16: {  	v2 =	vld [tilespmem:s26+$0xFFFFFFD0]  }
0x17: {  	v4 =	vld [tilespmem:s26+$0xFFFFFD90];
	_ =	sdelay $0x1  }
0x18: {  	v9 =	vimm.f32 $-1.000000000e+00;
	s20 =	simm.s32 $0x20;
	s21 =	simm.s32 $0x30;
	v3 =	vld [tilespmem:s26+$0xFFFFFFE0]  }
0x19: {  	v15 =	vimm.s32 $0x40000000;
	s22 =	simm.s32 $0x260;
	s28 =	simm.s32 $0x270;
	s29 =	simm.s32 $0x240;
	v18 =	vor.u32 s20, v0;
	v7 =	vor.u32 s21, v0  }
0x1a: {  	s30 =	simm.s32 $0x250;
	v5 =	vor.u32 s22, v0;
	v10 =	vor.u32 s28, v0;
	v6 =	vor.u32 s29, v0  }
0x1b: {  	v13 =	vor.u32 s30, v0;
	vm0 =	vgt.f32 v2, v9;
	vm2 =	vgt.f32 v4, v9  }
0x1c: {  	v11 =	vld [tilespmem:s26+$0xFFFFFFF0];
	v8 =	vsel vm0, v2, v9;
	v2 =	vsel vm0, v9, v2;
	v12 =	vsel vm0, v15, v6  }
0x1d: {  	v6 =	vsel vm0, v6, v15;
	vm3 =	vgt.f32 v2, v9;
	vm0 =	vgt.f32 v3, v8  }
0x1e: {  	v14 =	vld [tilespmem:s26+$0x0];
	v16 =	vsel vm3, v2, v9;
	v17 =	vsel vm0, v13, v6;
	v19 =	vsel vm0, v8, v3  }
0x1f: {  	v20 =	vsel vm3, v15, v12;
	v3 =	vsel vm0, v3, v8;
	v13 =	vsel vm0, v6, v13  }
0x20: {  	v2 =	vsel vm3, v9, v2;
	v12 =	vsel vm3, v12, v15;
	vm1 =	vgt.f32 v19, v16  }
0x21: {  	vm4 =	vgt.f32 v11, v3;
	vm6 =	vgt.f32 v2, v9;
	v21 =	vsel vm1, v19, v16  }
0x22: {  	v8 =	vsel vm4, v11, v3;
	v11 =	vsel vm4, v3, v11;
	v22 =	vsel vm4, v17, v5  }
0x23: {  	v16 =	vsel vm1, v16, v19;
	vm0 =	vgt.f32 v11, v21;
	vm5 =	vgt.f32 v14, v8  }
0x24: {  	v3 =	vsel vm0, v11, v21;
	v6 =	vsel vm5, v14, v8;
	v8 =	vsel vm5, v8, v14  }
0x25: {  	v14 =	vsel vm4, v5, v17;
	v17 =	vsel vm1, v13, v12;
	vm3 =	vgt.f32 v8, v3  }
0x26: {  	v19 =	vsel vm0, v22, v17;
	v17 =	vsel vm0, v17, v22;
	v22 =	vor.u32 s18, v0  }
0x27: {  	v5 =	vsel vm3, v8, v3;
	v8 =	vsel vm3, v3, v8;
	v3 =	vsel vm5, v10, v14  }
0x28: {  	v10 =	vsel vm5, v14, v10;
	v14 =	vsel vm6, v2, v9;
	v2 =	vsel vm6, v9, v2  }
0x29: {  	v12 =	vsel vm1, v12, v13;
	v25 =	vsel vm2, v15, v22;
	vm5 =	vgt.f32 v2, v9  }
0x2a: {  	v22 =	vsel vm2, v22, v15;
	vm7 =	vgt.f32 v16, v14;
	v23 =	vsel vm5, v2, v9  }
0x2b: {  	v24 =	vsel vm7, v14, v16;
	v2 =	vsel vm3, v10, v19;
	v14 =	vsel vm7, v16, v14  }
0x2c: {  	v10 =	vsel vm3, v19, v10;
	v16 =	vsel vm0, v21, v11;
	v19 =	vsel vm6, v20, v15  }
0x2d: {  	v11 =	vsel vm6, v15, v20;
	vm4 =	vgt.f32 v24, v23;
	vm3 =	vgt.f32 v16, v14  }
0x2e: {  	s31 =	simm.s32 $0x10;
	v21 =	vsel vm5, v11, v15;
	v13 =	vsel vm4, v24, v23;
	v11 =	vsel vm3, v16, v14  }
0x2f: {  	v20 =	vld [tilespmem:s26+$0xFFFFFDA0];
	v14 =	vsel vm3, v14, v16;
	v16 =	vor.u32 s31, v0;
	v23 =	vsel vm7, v12, v19  }
0x30: {  	v24 =	vsel vm2, v4, v9;
	v19 =	vsel vm7, v19, v12;
	v4 =	vsel vm2, v9, v4  }
0x31: {  	vm5 =	vgt.f32 v14, v13;
	vm0 =	vgt.f32 v8, v11;
	vm7 =	vgt.f32 v4, v9  }
0x32: {  	v26 =	vsel vm3, v23, v17;
	v12 =	vsel vm5, v14, v13;
	v29 =	vsel vm7, v4, v9  }
0x33: {  	v28 =	vld [tilespmem:s26+$0xFFFFFDB0];
	v4 =	vsel vm7, v9, v4;
	v14 =	vsel vm0, v11, v8;
	v13 =	vsel vm4, v19, v21  }
0x34: {  	vm6 =	vgt.f32 v20, v24;
	vm8 =	vgt.f32 v4, v9;
	vm1 =	vgt.f32 v14, v12  }
0x35: {  	v13 =	vsel vm5, v26, v13;
	v27 =	vsel vm6, v20, v24;
	v20 =	vsel vm6, v24, v20  }
0x36: {  	v24 =	vsel vm8, v4, v9;
	v4 =	vsel vm8, v9, v4;
	v19 =	vsel vm6, v22, v16  }
0x37: {  	v22 =	vsel vm6, v16, v22;
	vm9 =	vgt.f32 v4, v9;
	vm10 =	vgt.f32 v20, v29  }
0x38: {  	vm4 =	vgt.f32 v28, v27;
	v4 =	vsel vm9, v4, v9;
	v9 =	vsel vm7, v25, v15  }
0x39: {  	v26 =	vsel vm4, v27, v28;
	v25 =	vsel vm7, v15, v25;
	v30 =	vsel vm10, v29, v20  }
0x3a: {  	v21 =	vld [tilespmem:s26+$0xFFFFFDC0];
	v31 =	vsel vm10, v9, v19;
	v32 =	vsel vm8, v25, v15;
	vm5 =	vgt.f32 v30, v24  }
0x3b: {  	v16 =	vsel vm8, v15, v25;
	v33 =	vsel vm5, v30, v24;
	v30 =	vsel vm5, v24, v30  }
0x3c: {  	v24 =	vsel vm4, v28, v27;
	v27 =	vsel vm10, v19, v9;
	v19 =	vsel vm4, v18, v22  }
0x3d: {  	v25 =	vsel vm9, v16, v15;
	v15 =	vsel vm10, v20, v29;
	v16 =	vsel vm3, v17, v23  }
0x3e: {  	v22 =	vsel vm4, v22, v18;
	v18 =	vsel vm5, v31, v32;
	v31 =	vsel vm5, v32, v31  }
0x3f: {  	vm2 =	vgt.f32 v21, v24;
	vm6 =	vgt.f32 v30, v4;
	vm7 =	vgt.f32 v26, v15  }
0x40: {  	v17 =	vsel vm0, v16, v10;
	v9 =	vsel vm2, v21, v24;
	v20 =	vsel vm2, v24, v21  }
0x41: {  	v24 =	vsel vm7, v26, v15;
	v23 =	vsel vm7, v15, v26;
	v15 =	vsel vm7, v22, v27  }
0x42: {  	v4 =	vsel vm6, v30, v4;
	v21 =	vsel vm2, v19, v7;
	v22 =	vsel vm7, v27, v22  }
0x43: {  	v25 =	vsel vm6, v31, v25;
	vm3 =	vgt.f32 v20, v24;
	vm5 =	vgt.f32 v23, v33  }
0x44: {  	v27 =	vsel vm3, v24, v20;
	v29 =	vsel vm5, v23, v33;
	v23 =	vsel vm5, v33, v23  }
0x45: {  	v30 =	vsel vm5, v22, v18;
	vm4 =	vgt.f32 v23, v4;
	vm7 =	vgt.f32 v27, v29  }
0x46: {  	v63 =	vsel vm3, v15, v21;
	v26 =	vsel vm4, v23, v4;
	v28 =	vsel vm7, v29, v27  }
0x47: {  	s20 =	simm.s32 $0x2B0;
	s19 =	simm.s32 $0x0;
	v23 =	vsel vm7, v30, v63;
	v4 =	vsel vm7, v63, v30;
	vm6 =	vgt.f32 v28, v26  }
.LBB2_3:
0x48: {  	v30 =	vld [tilespmem:s20+$0xFFFFFFD0];
	s19 =	sadd.s32 $0x4, s19;
	v22 =	vsel vm5, v18, v22;
	v20 =	vsel vm3, v20, v24;
	v18 =	vsel vm7, v27, v29;
	s18 =	sadd.s32 $0x40, s18  }
0x49: {  	v19 =	vsel vm2, v7, v19;
	v27 =	vsel vm0, v10, v16;
	v29 =	vsel vm1, v17, v13;
	v24 =	vld [tilespmem:s20+$0xFFFFFD90];
	p0 =	slt.u32 s19, $0x20  }
0x4a: {  	v17 =	vsel vm3, v21, v15;
	v10 =	vsel vm1, v14, v12;
	v7 =	vsel vm4, v22, v25  }
0x4b: {  	v13 =	vsel vm6, v28, v26;
	v11 =	vsel vm0, v8, v11;
	s21 =	sadd.s32 $0x20, s18;
	s22 =	sadd.s32 $0x30, s18;
	v16 =	vsel vm6, v23, v7;
	v12 =	vld [tilespmem:s20+$0xFFFFFFE0]  }
0x4c: {  	s23 =	sadd.s32 $0x260, s18;
	v15 =	vor.u32 s21, v0;
	s21 =	sadd.s32 $0x270, s18;
	v7 =	vor.u32 s22, v0  }
0x4d: {  	s22 =	sadd.s32 $0x240, s18;
	v8 =	vor.u32 s23, v0;
	v14 =	vor.u32 s21, v0;
	vm0 =	vgt.f32 v30, v6  }
0x4e: {  	v21 =	vor.u32 s22, v0;
	s21 =	sadd.s32 $0x250, s18;
	vm2 =	vgt.f32 v24, v9;
	v22 =	vsel vm0, v30, v6;
	v23 =	vld [tilespmem:s20+$0xFFFFFFF0]  }
0x4f: {  	v26 =	vor.u32 s21, v0;
	v6 =	vsel vm0, v6, v30;
	v25 =	vsel vm0, v3, v21  }
0x50: {  	v3 =	vsel vm0, v21, v3;
	vm3 =	vgt.f32 v6, v5;
	vm0 =	vgt.f32 v12, v22;
	v21 =	vld [tilespmem:s20+$0x0]  }
0x51: {  	v28 =	vsel vm3, v6, v5;
	v30 =	vsel vm0, v26, v3;
	v31 =	vsel vm0, v22, v12  }
0x52: {  	v32 =	vsel vm3, v2, v25;
	v12 =	vsel vm0, v12, v22;
	vm1 =	vgt.f32 v31, v28  }
0x53: {  	v22 =	vsel vm0, v3, v26;
	v26 =	vsel vm1, v31, v28;
	vm4 =	vgt.f32 v23, v12  }
0x54: {  	v3 =	vsel vm4, v23, v12;
	v12 =	vsel vm4, v12, v23;
	v23 =	vsel vm4, v30, v8  }
0x55: {  	v33 =	vsel vm3, v5, v6;
	vm0 =	vgt.f32 v12, v26;
	vm5 =	vgt.f32 v21, v3  }
0x56: {  	v34 =	vsel vm0, v12, v26;
	v6 =	vsel vm5, v21, v3;
	v3 =	vsel vm5, v3, v21  }
0x57: {  	v21 =	vsel vm3, v25, v2;
	v2 =	vsel vm4, v8, v30;
	vm3 =	vgt.f32 v3, v34  }
0x58: {  	v25 =	vsel vm1, v28, v31;
	v5 =	vsel vm3, v3, v34;
	v8 =	vsel vm3, v34, v3  }
0x59: {  	vm6 =	vgt.f32 v33, v11;
	v3 =	vsel vm5, v14, v2;
	v14 =	vsel vm5, v2, v14  }
0x5a: {  	v28 =	vsel vm6, v33, v11;
	v30 =	vsel vm1, v22, v21;
	v2 =	vsel vm6, v11, v33  }
0x5b: {  	vm5 =	vgt.f32 v25, v28;
	v11 =	vsel vm0, v23, v30;
	vm7 =	vgt.f32 v2, v10  }
0x5c: {  	v33 =	vsel vm5, v28, v25;
	v31 =	vsel vm7, v2, v10;
	v2 =	vsel vm3, v14, v11  }
0x5d: {  	v25 =	vsel vm5, v25, v28;
	v10 =	vsel vm3, v11, v14;
	vm4 =	vgt.f32 v33, v31  }
0x5e: {  	v12 =	vsel vm0, v26, v12;
	v14 =	vsel vm1, v21, v22;
	v21 =	vsel vm4, v33, v31  }
0x5f: {  	v22 =	vsel vm6, v32, v27;
	v11 =	vsel vm6, v27, v32;
	vm3 =	vgt.f32 v12, v25;
	v26 =	vld [tilespmem:s20+$0xFFFFFDA0]  }
0x60: {  	s21 =	sadd.s32 $0x10, s18;
	v27 =	vsel vm7, v11, v29;
	v11 =	vsel vm3, v12, v25;
	v12 =	vsel vm3, v25, v12  }
0x61: {  	v23 =	vsel vm0, v30, v23;
	v25 =	vor.u32 s21, v0;
	v28 =	vsel vm5, v14, v22  }
0x62: {  	v29 =	vor.u32 s18, v0;
	vm0 =	vgt.f32 v8, v11;
	vm7 =	vgt.f32 v12, v21  }
0x63: {  	v30 =	vsel vm2, v24, v9;
	v22 =	vsel vm5, v22, v14;
	v31 =	vsel vm2, v19, v29  }
0x64: {  	v9 =	vsel vm2, v9, v24;
	v24 =	vsel vm3, v28, v23;
	vm5 =	vgt.f32 v26, v30  }
0x65: {  	vm10 =	vgt.f32 v9, v20;
	v12 =	vsel vm7, v12, v21;
	v32 =	vsel vm5, v26, v30;
	v33 =	vld [tilespmem:s20+$0xFFFFFDB0]  }
0x66: {  	v14 =	vsel vm0, v11, v8;
	v21 =	vsel vm10, v9, v20;
	v9 =	vsel vm10, v20, v9  }
0x67: {  	vm6 =	vgt.f32 v9, v18;
	vm1 =	vgt.f32 v14, v12;
	v20 =	vsel vm5, v30, v26  }
0x68: {  	v19 =	vsel vm2, v29, v19;
	v26 =	vsel vm6, v9, v18;
	v9 =	vsel vm6, v18, v9  }
0x69: {  	v18 =	vsel vm4, v22, v27;
	vm8 =	vgt.f32 v9, v13;
	vm9 =	vgt.f32 v20, v21  }
0x6a: {  	v22 =	vsel vm8, v9, v13;
	v13 =	vsel vm7, v24, v18;
	vm4 =	vgt.f32 v33, v32;
	v18 =	vld [tilespmem:s20+$0xFFFFFDC0]  }
0x6b: {  	v9 =	vsel vm10, v31, v17;
	v24 =	vsel vm5, v19, v25;
	v27 =	vsel vm4, v32, v33  }
0x6c: {  	v17 =	vsel vm10, v17, v31;
	v29 =	vsel vm9, v21, v20;
	v30 =	vsel vm9, v9, v24  }
0x6d: {  	v25 =	vsel vm5, v25, v19;
	v31 =	vsel vm6, v17, v4;
	vm5 =	vgt.f32 v29, v26  }
0x6e: {  	v34 =	vsel vm5, v29, v26;
	v26 =	vsel vm5, v26, v29;
	v29 =	vsel vm4, v33, v32  }
0x6f: {  	v32 =	vsel vm9, v24, v9;
	v19 =	vsel vm4, v15, v25;
	vm2 =	vgt.f32 v18, v29  }
0x70: {  	v4 =	vsel vm6, v4, v17;
	vm6 =	vgt.f32 v26, v22;
	v9 =	vsel vm2, v18, v29  }
0x71: {  	v21 =	vsel vm9, v20, v21;
	v4 =	vsel vm8, v4, v16;
	v16 =	vsel vm3, v23, v28  }
0x72: {  	v17 =	vsel vm0, v16, v10;
	vm7 =	vgt.f32 v27, v21;
	v20 =	vsel vm2, v29, v18  }
0x73: {  	v23 =	vsel vm4, v25, v15;
	v24 =	vsel vm7, v27, v21;
	v25 =	vsel vm7, v21, v27  }
0x74: {  	v15 =	vsel vm7, v23, v32;
	v18 =	vsel vm5, v30, v31;
	vm3 =	vgt.f32 v20, v24  }
0x75: {  	v26 =	vsel vm6, v26, v22;
	v30 =	vsel vm5, v31, v30;
	v21 =	vsel vm2, v19, v7  }
.Ltmp0:
0x76: {  	v22 =	vsel vm7, v32, v23;
	vm5 =	vgt.f32 v25, v34;
	v27 =	vsel vm3, v24, v20;
	(pc) =	sbr.rel @p0 .LBB2_3-.Ltmp0, $4  }
0x77: {  	v29 =	vsel vm5, v25, v34;
	v31 =	vsel vm5, v22, v18;
	v23 =	vsel vm5, v34, v25  }
0x78: {  	vm4 =	vgt.f32 v23, v26;
	v32 =	vsel vm3, v15, v21;
	vm7 =	vgt.f32 v27, v29  }
0x79: {  	v26 =	vsel vm4, v23, v26;
	v28 =	vsel vm7, v29, v27;
	v23 =	vsel vm7, v31, v32  }
0x7a: {  	s20 =	sadd.s32 $0x40, s20;
	v25 =	vsel vm6, v30, v4;
	v4 =	vsel vm7, v32, v31;
	vm6 =	vgt.f32 v28, v26  }
0x7b: {  	v20 =	vsel vm3, v20, v24  }
0x7c: {  	v42 =	vsel vm7, v27, v29;
	v43 =	vmax.f32 v9, v20  }
0x7d: {  	v26 =	vsel vm6, v28, v26;
	v27 =	vmax.f32 v43, v42  }
0x7e: {  	v27 =	vmax.f32 v27, v26  }
0x7f: {  	v27 =	vmax.f32 v27, v6  }
0x80: {  	v44 =	vsel vm0, v8, v11;
	v45 =	vmax.f32 v27, v5  }
0x81: {  	v14 =	vsel vm1, v14, v12;
	v8 =	vmax.f32 v45, v44  }
0x82: {  	v8 =	vmax.f32 v8, v14  }
0x83: {  	(xrf0) =	vmax.scan.msk.f32 $0xffff, v8;
	_ =	sdelay $0x5  }
0x84: {  	v8, _, _ =	vpop (xrf0)  }
0x85: {  	v46 =	vbroadcast v8, $0xF  }
0x86: {  	v7 =	vsel vm2, v7, v19  }
0x87: {  	v8 =	vsel vm3, v21, v15;
	vm7 =	veq.f32 v9, v46;
	vm8 =	veq.f32 v20, v46  }
0x88: {  	v47 =	vnsel vm7, $0x40000000, v7;
	v48 =	vnsel vm8, $0x40000000, v8  }
0x89: {  	v49 =	vsel vm5, v18, v22;
	vm9 =	veq.f32 v42, v46;
	vm2 =	vlt.s32 v47, v48  }
0x8a: {  	v15 =	vsel vm4, v49, v25;
	v50 =	vnsel vm9, $0x40000000, v4;
	v12 =	vsel vm2, v47, v48  }
0x8b: {  	v11 =	vsel vm6, v23, v15;
	vm10 =	veq.f32 v26, v46;
	vm2 =	vlt.s32 v12, v50  }
0x8c: {  	v15 =	vnsel vm10, $0x40000000, v11;
	v12 =	vsel vm2, v12, v50  }
0x8d: {  	vm11 =	veq.f32 v6, v46;
	vm2 =	vlt.s32 v12, v15  }
0x8e: {  	v51 =	vnsel vm11, $0x40000000, v3;
	v12 =	vsel vm2, v12, v15  }
0x8f: {  	vm12 =	veq.f32 v5, v46;
	vm2 =	vlt.s32 v12, v51  }
0x90: {  	v52 =	vnsel vm12, $0x40000000, v2;
	v12 =	vsel vm2, v12, v51  }
0x91: {  	v10 =	vsel vm0, v10, v16;
	vm14 =	veq.f32 v44, v46;
	vm13 =	vlt.s32 v12, v52  }
0x92: {  	v16 =	vnsel vm14, $0x40000000, v10;
	v15 =	vsel vm13, v12, v52  }
0x93: {  	vm15 =	veq.f32 v14, v46;
	v12 =	vsel vm1, v17, v13;
	vm0 =	vlt.s32 v15, v16  }
0x94: {  	v54 =	vnsel vm15, $0x40000000, v12;
	v53 =	vsel vm0, v15, v16  }
0x95: {  	vm0 =	vlt.s32 v53, v54  }
0x96: {  	v13 =	vsel vm0, v53, v54  }
0x97: {  	v13 =	vxor.u32 $0x80000000, v13  }
0x98: {  	(xrf0) =	vmin.scan.msk.u32 $0xffff, v13;
	_ =	sdelay $0x5  }
0x99: {  	v13, _, _ =	vpop (xrf0)  }
0x9a: {  	(v2sf) =	vpush v13, $0xF;
	_ =	sdelay $0xe  }
0x9b: {  	s18 =	spop (v2sf)  }
0x9c: {  	s19 =	sxor.u32 $0x80000000, s18  }
0x9d: {  	p0 =	sgt.s32 s19, $0x1;
	s18 =	smov.u32 s19  }
0x9e: {  	s18 =	simm.s32 @!p0 $0x1  }
0x9f: {  	s18 =	smin.u32 s18, $0x7F  }
0xa0: {  	v55 =	vor.u32 s18, v1;
	_ =	sdelay $0x4  }
0xa1: {  	v13 =	vld.idx.msk [tilespmem:v55+s9+$0x0], $0xffff;
	_ =	sdelay $0x4  }
0xa2: {  	(v2sf) =	vpush v13, $0x0;
	_ =	sdelay $0xd  }
0xa3: {  	vm4 =	veq.s32 v8, s19;
	vm5 =	veq.s32 v7, s19  }
0xa4: {  	vm6 =	veq.s32 v4, s19;
	v56 =	vsel vm4, $0xBF800000, v20;
	v57 =	vsel vm5, $0xBF800000, v9;
	s30 =	spop (v2sf)  }
0xa5: {  	s31 =	smul.u32 $0x880, s17;
	vm7 =	veq.s32 v11, s19;
	v58 =	vsel vm6, $0xBF800000, v42;
	v59 =	vmax.f32 v57, v56;
	s20 =	scvt.f32.s32 s30  }
0xa6: {  	vm8 =	veq.s32 v3, s19;
	v60 =	vsel vm7, $0xBF800000, v26;
	v17 =	vmax.f32 v59, v58  }
0xa7: {  	vm9 =	veq.s32 v2, s19;
	v61 =	vsel vm8, $0xBF800000, v6;
	v17 =	vmax.f32 v17, v60;
	s20 =	sadd.s32 s20, s31  }
0xa8: {  	vm10 =	veq.s32 v10, s19;
	v62 =	vsel vm9, $0xBF800000, v5;
	v17 =	vmax.f32 v17, v61;
	s20 =	sshrl.u32 s20, $0x3  }
0xa9: {  	vm11 =	veq.s32 v12, s19;
	v63 =	vsel vm10, $0xBF800000, v44;
	v17 =	vmax.f32 v17, v62;
	s21 =	sadd.s32 s5, s20  }
0xaa: {  	v14 =	vsel vm11, $0xBF800000, v14;
	v17 =	vmax.f32 v17, v63;
	[tilespmem:s11], [sflag:$0x1] =	stream.linear.gather [hbm4b:s21+s2], $0x40, $0x38;
	[tilespmem:$0x680] =	vst v63  }
0xab: {  	v17 =	vmax.f32 v17, v14;
	_ =	swait.ge [sflag:s10], $0x40  }
0xac: {  	(xrf0) =	vmax.scan.msk.f32 $0xffff, v17;
	_ =	sdelay $0x5  }
0xad: {  	v17, _, _ =	vpop (xrf0)  }
0xae: {  	v17 =	vbroadcast v17, $0xF;
	_ =	sdelay $0x1  }
0xaf: {  	vm12 =	veq.f32 v57, v17;
	vm13 =	veq.f32 v56, v17  }
0xb0: {  	v24 =	vnsel vm12, $0x40000000, v7;
	v21 =	vnsel vm13, $0x40000000, v8  }
0xb1: {  	vm14 =	veq.f32 v58, v17;
	vm0 =	vlt.s32 v24, v21  }
0xb2: {  	v25 =	vnsel vm14, $0x40000000, v4;
	v20 =	vsel vm0, v24, v21  }
0xb3: {  	vm15 =	veq.f32 v60, v17;
	vm0 =	vlt.s32 v20, v25  }
0xb4: {  	v26 =	vnsel vm15, $0x40000000, v11;
	v20 =	vsel vm0, v20, v25  }
0xb5: {  	vm4 =	veq.f32 v61, v17;
	vm0 =	vlt.s32 v20, v26  }
0xb6: {  	v27 =	vnsel vm4, $0x40000000, v3;
	v20 =	vsel vm0, v20, v26  }
0xb7: {  	vm5 =	veq.f32 v62, v17;
	vm0 =	vlt.s32 v20, v27  }
0xb8: {  	v28 =	vnsel vm5, $0x40000000, v2;
	v20 =	vsel vm0, v20, v27  }
0xb9: {  	vm6 =	veq.f32 v63, v17;
	vm0 =	vlt.s32 v20, v28  }
0xba: {  	v29 =	vnsel vm6, $0x40000000, v10;
	v20 =	vsel vm0, v20, v28  }
0xbb: {  	vm7 =	veq.f32 v14, v17;
	vm0 =	vlt.s32 v20, v29  }
0xbc: {  	v31 =	vnsel vm7, $0x40000000, v12;
	v30 =	vsel vm0, v20, v29  }
0xbd: {  	vm0 =	vlt.s32 v30, v31  }
0xbe: {  	v17 =	vsel vm0, v30, v31  }
0xbf: {  	v17 =	vxor.u32 $0x80000000, v17  }
0xc0: {  	(xrf0) =	vmin.scan.msk.u32 $0xffff, v17;
	_ =	sdelay $0x5  }
0xc1: {  	v17, _, _ =	vpop (xrf0)  }
0xc2: {  	(v2sf) =	vpush v17, $0xF;
	_ =	sdelay $0xb  }
0xc3: {  	[sflag:s10] =	ssyncset.done $0x0  }
0xc4: {  	[sflag:s10] =	ssyncadd.s32 $0xFFFFFFC0  }
0xc5: {  	v34 =	vld [tilespmem:$0x4A0]  }
0xc6: {  	v33 =	vld [tilespmem:$0x490];
	s22 =	spop (v2sf)  }
0xc7: {  	v32 =	vld [tilespmem:$0x480];
	s19 =	sxor.u32 $0x80000000, s22  }
0xc8: {  	v13 =	vbroadcast v13, $0x1;
	v35 =	vld [tilespmem:$0x4B0];
	p0 =	sgt.s32 s19, $0x1;
	s20 =	smov.u32 s19  }
0xc9: {  	s20 =	simm.s32 @!p0 $0x1  }
0xca: {  	v37 =	vmul.f32 v34, v13;
	s20 =	smin.u32 s20, $0x7F  }
0xcb: {  	v20 =	vmul.f32 v33, v13;
	v36 =	vor.u32 s20, v1  }
0xcc: {  	[tilespmem:$0x4A0] =	vst v37;
	v17 =	vmul.f32 v32, v13  }
0xcd: {  	[tilespmem:$0x490] =	vst v20;
	v13 =	vmul.f32 v35, v13  }
0xce: {  	[tilespmem:$0x480] =	vst v17  }
0xcf: {  	[tilespmem:$0x4B0] =	vst v13  }
0xd0: {  	v13 =	vld.idx.msk [tilespmem:v36+s9+$0x0], $0xffff;
	_ =	sdelay $0x4  }
0xd1: {  	(v2sf) =	vpush v13, $0x0;
	_ =	sdelay $0xd  }
0xd2: {  	vm8 =	veq.s32 v8, s19;
	vm9 =	veq.s32 v7, s19  }
0xd3: {  	vm10 =	veq.s32 v4, s19;
	v15 =	vsel vm8, $0xBF800000, v56;
	v9 =	vsel vm9, $0xBF800000, v57;
	s23 =	spop (v2sf)  }
0xd4: {  	vm11 =	veq.s32 v11, s19;
	v16 =	vsel vm10, $0xBF800000, v58;
	v38 =	vmax.f32 v9, v15;
	s20 =	scvt.f32.s32 s23  }
0xd5: {  	vm12 =	veq.s32 v3, s19;
	v18 =	vsel vm11, $0xBF800000, v60;
	v17 =	vmax.f32 v38, v16  }
0xd6: {  	vm13 =	veq.s32 v2, s19;
	v6 =	vsel vm12, $0xBF800000, v61;
	v17 =	vmax.f32 v17, v18;
	s20 =	sadd.s32 s20, s31  }
0xd7: {  	vm14 =	veq.s32 v10, s19;
	v5 =	vsel vm13, $0xBF800000, v62;
	v17 =	vmax.f32 v17, v6;
	s20 =	sshrl.u32 s20, $0x3  }
0xd8: {  	vm15 =	veq.s32 v12, s19;
	v19 =	vsel vm14, $0xBF800000, v63;
	v17 =	vmax.f32 v17, v5;
	s24 =	sadd.s32 s5, s20  }
0xd9: {  	v14 =	vsel vm15, $0xBF800000, v14;
	v17 =	vmax.f32 v17, v19;
	[tilespmem:s12], [sflag:$0x1] =	stream.linear.gather [hbm4b:s24+s2], $0x40, $0x38;
	[tilespmem:$0x680] =	vst v63  }
0xda: {  	v17 =	vmax.f32 v17, v14;
	_ =	swait.ge [sflag:s10], $0x40  }
0xdb: {  	(xrf0) =	vmax.scan.msk.f32 $0xffff, v17;
	_ =	sdelay $0x5  }
0xdc: {  	v17, _, _ =	vpop (xrf0)  }
0xdd: {  	v17 =	vbroadcast v17, $0xF;
	_ =	sdelay $0x1  }
0xde: {  	vm4 =	veq.f32 v9, v17;
	vm5 =	veq.f32 v15, v17  }
0xdf: {  	v39 =	vnsel vm4, $0x40000000, v7;
	v40 =	vnsel vm5, $0x40000000, v8  }
0xe0: {  	vm6 =	veq.f32 v16, v17;
	vm0 =	vlt.s32 v39, v40  }
0xe1: {  	v41 =	vnsel vm6, $0x40000000, v4;
	v20 =	vsel vm0, v39, v40  }
0xe2: {  	vm7 =	veq.f32 v18, v17;
	vm0 =	vlt.s32 v20, v41  }
0xe3: {  	v42 =	vnsel vm7, $0x40000000, v11;
	v20 =	vsel vm0, v20, v41  }
0xe4: {  	vm8 =	veq.f32 v6, v17;
	vm0 =	vlt.s32 v20, v42  }
0xe5: {  	v43 =	vnsel vm8, $0x40000000, v3;
	v20 =	vsel vm0, v20, v42  }
0xe6: {  	vm9 =	veq.f32 v5, v17;
	vm0 =	vlt.s32 v20, v43  }
0xe7: {  	v44 =	vnsel vm9, $0x40000000, v2;
	v20 =	vsel vm0, v20, v43  }
0xe8: {  	vm10 =	veq.f32 v19, v17;
	vm0 =	vlt.s32 v20, v44  }
0xe9: {  	v45 =	vnsel vm10, $0x40000000, v10;
	v20 =	vsel vm0, v20, v44  }
0xea: {  	vm11 =	veq.f32 v14, v17;
	vm0 =	vlt.s32 v20, v45  }
0xeb: {  	v47 =	vnsel vm11, $0x40000000, v12;
	v46 =	vsel vm0, v20, v45  }
0xec: {  	vm0 =	vlt.s32 v46, v47  }
0xed: {  	v17 =	vsel vm0, v46, v47  }
0xee: {  	v17 =	vxor.u32 $0x80000000, v17  }
0xef: {  	(xrf0) =	vmin.scan.msk.u32 $0xffff, v17;
	_ =	sdelay $0x5  }
0xf0: {  	v17, _, _ =	vpop (xrf0)  }
0xf1: {  	(v2sf) =	vpush v17, $0xF;
	_ =	sdelay $0xb  }
0xf2: {  	[sflag:s10] =	ssyncset.done $0x0  }
0xf3: {  	[sflag:s10] =	ssyncadd.s32 $0xFFFFFFC0  }
0xf4: {  	v50 =	vld [tilespmem:$0x4E0]  }
0xf5: {  	v49 =	vld [tilespmem:$0x4D0];
	s25 =	spop (v2sf)  }
0xf6: {  	v48 =	vld [tilespmem:$0x4C0];
	s19 =	sxor.u32 $0x80000000, s25  }
0xf7: {  	v13 =	vbroadcast v13, $0x1;
	v51 =	vld [tilespmem:$0x4F0];
	p0 =	sgt.s32 s19, $0x1;
	s20 =	smov.u32 s19  }
0xf8: {  	s20 =	simm.s32 @!p0 $0x1  }
0xf9: {  	v53 =	vmul.f32 v50, v13;
	s20 =	smin.u32 s20, $0x7F  }
0xfa: {  	v20 =	vmul.f32 v49, v13;
	v52 =	vor.u32 s20, v1  }
0xfb: {  	[tilespmem:$0x4E0] =	vst v53;
	v17 =	vmul.f32 v48, v13  }
0xfc: {  	[tilespmem:$0x4D0] =	vst v20;
	v13 =	vmul.f32 v51, v13  }
0xfd: {  	[tilespmem:$0x4C0] =	vst v17  }
0xfe: {  	[tilespmem:$0x4F0] =	vst v13  }
0xff: {  	v13 =	vld.idx.msk [tilespmem:v52+s9+$0x0], $0xffff;
	_ =	sdelay $0x4  }
0x100: {  	(v2sf) =	vpush v13, $0x0;
	_ =	sdelay $0xd  }
0x101: {  	vm12 =	veq.s32 v8, s19;
	vm13 =	veq.s32 v7, s19  }
0x102: {  	vm14 =	veq.s32 v4, s19;
	v15 =	vsel vm12, $0xBF800000, v15;
	v9 =	vsel vm13, $0xBF800000, v9;
	s26 =	spop (v2sf)  }
0x103: {  	vm15 =	veq.s32 v11, s19;
	v16 =	vsel vm14, $0xBF800000, v16;
	v54 =	vmax.f32 v9, v15;
	s20 =	scvt.f32.s32 s26  }
0x104: {  	vm4 =	veq.s32 v3, s19;
	v18 =	vsel vm15, $0xBF800000, v18;
	v17 =	vmax.f32 v54, v16  }
0x105: {  	vm5 =	veq.s32 v2, s19;
	v6 =	vsel vm4, $0xBF800000, v6;
	v17 =	vmax.f32 v17, v18;
	s20 =	sadd.s32 s20, s31  }
0x106: {  	vm6 =	veq.s32 v10, s19;
	v5 =	vsel vm5, $0xBF800000, v5;
	v17 =	vmax.f32 v17, v6;
	s20 =	sshrl.u32 s20, $0x3  }
0x107: {  	vm7 =	veq.s32 v12, s19;
	v19 =	vsel vm6, $0xBF800000, v19;
	v17 =	vmax.f32 v17, v5;
	s28 =	sadd.s32 s5, s20  }
0x108: {  	v14 =	vsel vm7, $0xBF800000, v14;
	v17 =	vmax.f32 v17, v19;
	[tilespmem:s13], [sflag:$0x1] =	stream.linear.gather [hbm4b:s28+s2], $0x40, $0x38;
	[tilespmem:$0x680] =	vst v63  }
0x109: {  	v17 =	vmax.f32 v17, v14;
	_ =	swait.ge [sflag:s10], $0x40  }
0x10a: {  	(xrf0) =	vmax.scan.msk.f32 $0xffff, v17;
	_ =	sdelay $0x5  }
0x10b: {  	v17, _, _ =	vpop (xrf0)  }
0x10c: {  	v17 =	vbroadcast v17, $0xF;
	_ =	sdelay $0x1  }
0x10d: {  	vm8 =	veq.f32 v9, v17;
	vm9 =	veq.f32 v15, v17  }
0x10e: {  	v7 =	vnsel vm8, $0x40000000, v7;
	v8 =	vnsel vm9, $0x40000000, v8  }
0x10f: {  	vm10 =	veq.f32 v16, v17;
	vm0 =	vlt.s32 v7, v8  }
0x110: {  	v55 =	vnsel vm10, $0x40000000, v4;
	v7 =	vsel vm0, v7, v8  }
0x111: {  	vm11 =	veq.f32 v18, v17;
	vm0 =	vlt.s32 v7, v55  }
0x112: {  	v56 =	vnsel vm11, $0x40000000, v11;
	v4 =	vsel vm0, v7, v55  }
0x113: {  	vm12 =	veq.f32 v6, v17;
	vm0 =	vlt.s32 v4, v56  }
0x114: {  	v3 =	vnsel vm12, $0x40000000, v3;
	v4 =	vsel vm0, v4, v56  }
0x115: {  	vm13 =	veq.f32 v5, v17;
	vm0 =	vlt.s32 v4, v3  }
0x116: {  	v2 =	vnsel vm13, $0x40000000, v2;
	v3 =	vsel vm0, v4, v3  }
0x117: {  	vm14 =	veq.f32 v19, v17;
	vm0 =	vlt.s32 v3, v2  }
0x118: {  	v2 =	vsel vm0, v3, v2;
	v3 =	vnsel vm14, $0x40000000, v10  }
0x119: {  	vm15 =	veq.f32 v14, v17;
	vm0 =	vlt.s32 v2, v3  }
0x11a: {  	v2 =	vsel vm0, v2, v3;
	v3 =	vnsel vm15, $0x40000000, v12  }
0x11b: {  	vm0 =	vlt.s32 v2, v3  }
0x11c: {  	v2 =	vsel vm0, v2, v3  }
0x11d: {  	v2 =	vxor.u32 $0x80000000, v2  }
0x11e: {  	(xrf0) =	vmin.scan.msk.u32 $0xffff, v2;
	_ =	sdelay $0x5  }
0x11f: {  	v2, _, _ =	vpop (xrf0)  }
0x120: {  	(v2sf) =	vpush v2, $0xF;
	_ =	sdelay $0xb  }
0x121: {  	[sflag:s10] =	ssyncset.done $0x0  }
0x122: {  	[sflag:s10] =	ssyncadd.s32 $0xFFFFFFC0  }
0x123: {  	v3 =	vld [tilespmem:$0x510]  }
0x124: {  	v2 =	vld [tilespmem:$0x500];
	s29 =	spop (v2sf)  }
0x125: {  	v59 =	vld [tilespmem:$0x530];
	s19 =	sxor.u32 $0x80000000, s29  }
0x126: {  	v58 =	vbroadcast v13, $0x1;
	v57 =	vld [tilespmem:$0x520];
	p0 =	sgt.s32 s19, $0x1  }
0x127: {  	s19 =	simm.s32 @!p0 $0x1  }
0x128: {  	v3 =	vmul.f32 v3, v58;
	s19 =	smin.u32 s19, $0x7F  }
0x129: {  	v2 =	vmul.f32 v2, v58;
	v60 =	vor.u32 s19, v1  }
0x12a: {  	[tilespmem:$0x510] =	vst v3;
	v3 =	vmul.f32 v59, v58  }
0x12b: {  	[tilespmem:$0x500] =	vst v2;
	v2 =	vmul.f32 v57, v58  }
0x12c: {  	[tilespmem:$0x530] =	vst v3  }
0x12d: {  	[tilespmem:$0x520] =	vst v2  }
0x12e: {  	v2 =	vld.idx.msk [tilespmem:v60+s9+$0x0], $0xffff;
	_ =	sdelay $0x4  }
0x12f: {  	(v2sf) =	vpush v2, $0x0;
	_ =	sdelay $0xe  }
0x130: {  	s30 =	spop (v2sf)  }
0x131: {  	s19 =	scvt.f32.s32 s30;
	_ =	sdelay $0x1  }
0x132: {  	s18 =	sadd.s32 s19, s31  }
0x133: {  	s18 =	sshrl.u32 s18, $0x3  }
0x134: {  	s18 =	sadd.s32 s5, s18  }
0x135: {  	[tilespmem:s14], [sflag:$0x1] =	stream.linear.gather [hbm4b:s18+s2], $0x40, $0x38;
	[tilespmem:$0x680] =	vst v63  }
0x136: {  	_ =	swait.ge [sflag:s10], $0x40  }
0x137: {  	[sflag:s10] =	ssyncset.done $0x0  }
0x138: {  	[sflag:s10] =	ssyncadd.s32 $0xFFFFFFC0  }
0x139: {  	v3 =	vld [tilespmem:$0x540]  }
0x13a: {  	v61 =	vld [tilespmem:$0x550]  }
0x13b: {  	v62 =	vld [tilespmem:$0x560]  }
0x13c: {  	v2 =	vbroadcast v2, $0x1;
	v63 =	vld [tilespmem:$0x570];
	_ =	sdelay $0x1  }
0x13d: {  	v3 =	vmul.f32 v3, v2  }
0x13e: {  	v4 =	vmul.f32 v61, v2  }
0x13f: {  	[tilespmem:$0x540] =	vst v3;
	v3 =	vmul.f32 v62, v2  }
0x140: {  	s16 =	sadd.s32 $0x1, s16;
	[tilespmem:$0x550] =	vst v4;
	v2 =	vmul.f32 v63, v2  }
0x141: {  	p0 =	sne.s32 s16, $0x20;
	s31 =	sshll.u32 s17, $0x5;
	[tilespmem:$0x560] =	vst v3  }
.Ltmp1:
0x142: {  	s17 =	sadd.s32 s1, s31;
	[tilespmem:$0x570] =	vst v2;
	(pc) =	sbr.rel @p0 .LBB2_2-.Ltmp1, $4  }
0x143: {  	[hbm4b:s17+s2] =	stream.linear.scatter [tilespmem:s11], [sflag:$0x1], $0x100, $0x38;
	[tilespmem:$0x680] =	vst v63  }
0x144: {  	_ =	swait.ge [sflag:s10], $0x100  }
0x145: {  	[sflag:s10] =	ssyncset.done $0x0  }
0x146: {  	[sflag:s10] =	ssyncadd.s32 $0xFFFFFF00  }
0x147: {  	s15 =	sadd.s32 $0x1, s15  }
0x148: {  	p0 =	sne.s32 s15, s8  }
.Ltmp2:
0x149: {  	_ = 	snop;
	(pc) =	sbr.rel @p0 .LBB2_1-.Ltmp2, $1  }
0x14a: {  	_ =	sdelay $0x3  }
0x14b: {  	_ =	sfence.sel $0x180000  }
0x14c: {  	[bflag:$0x0] =	sbarrier.arrive $0xFFFF  }
0x14d: {  	p0 =	sne.s32 s3, $0x0;
	_ =	strace $0x90000047  }
0x14e: {  	s0 =	sadd.s32 @!p0 $0x100000, s0;
	[bflag:$0x2] =	sbarrier.arrive $0xFFFF  }
0x14f: {  	[sflag:s0] =	ssyncadd.tile.s32 @!p0 $0x1;
	_ =	shalt  }
.Lfunc_end2:
_tile_overlayer_lowered:
.L_overlay_start_2:
0x150: {  	(tag) =	ssettag $0x2  }
0x151: {  	s0 =	rddreg [dreg:$0x0];
	s2 =	stileid.u32  }
0x152: {  	s1 =	rddreg [dreg:$0x1];
	p0 =	sne.s32 s2, $0x0  }
0x153: {  	s3 =	rddreg [dreg:$0x2];
	[bflag:$0x3] =	sbarrier.arrive $0xFFFF;
	s2 =	simm.s32 @!p0 $0x1C01  }
0x154: {  	[timem:s3], [sflag:s2] =	dma.local @!p0 [hbm:s0], s1  }
0x155: {  	s0 =	simm.s32 @!p0 $0x1  }
0x156: {  	_ =	swait.ge @!p0 [sflag:s0], s1  }
0x157: {  	s1 =	ssub.s32 @!p0 $0x0, s1;
	[sflag:s0] =	ssyncset.done @!p0 $0x0  }
0x158: {  	[sflag:s0] =	ssyncadd.s32 @!p0 s1  }
0x159: {  	[bflag:$0x3] =	sbarrier.arrive $0xFFFF  }
0x15a: {  	_ =	shalt  }

</sc_bundles>
